<compile_context>
chip_gen: v7x
topology: tpu7x:2x2x1
jax: 0.10.2.dev20260603
libtpu: 0.0.44.dev20260713+nightly
codegen_flags: <defaults>
</compile_context>

<pallas_src>
import functools

import jax
import jax.numpy as jnp
from jax import lax
from jax.experimental import pallas as pl
from jax.experimental.pallas import tpu as pltpu
from jax.experimental.pallas import tpu_sc as plsc

_E = 64
_D = 1024
_F = 256
_T = 2048
_CAP = 256

_NC = 2
_NS = 16
_NW = _NC * _NS
_L = 16
_SENT = _E * _CAP


def _router_body(x_ref, gwt_ref, bias_ref, d1_ref, d2_ref, s1_ref, s2_ref,
                 w1_ref, w2_ref, cnt_ref):
    x = x_ref[...]
    logits = jnp.dot(x, gwt_ref[...], preferred_element_type=jnp.float32)
    scores = jax.nn.sigmoid(logits)
    choice = scores + bias_ref[...]
    lane = jax.lax.broadcasted_iota(jnp.int32, (_T, _E), 1)
    neg = jnp.float32(-jnp.inf)

    m1 = jnp.max(choice, axis=1, keepdims=True)
    i1 = jnp.min(jnp.where(choice == m1, lane, _E), axis=1, keepdims=True)
    sel1 = lane == i1
    s1 = jnp.max(jnp.where(sel1, scores, neg), axis=1, keepdims=True)

    choice2 = jnp.where(sel1, neg, choice)
    m2 = jnp.max(choice2, axis=1, keepdims=True)
    i2 = jnp.min(jnp.where(choice2 == m2, lane, _E), axis=1, keepdims=True)
    sel2 = lane == i2
    s2 = jnp.max(jnp.where(sel2, scores, neg), axis=1, keepdims=True)

    denom = s1 + s2 + jnp.float32(1e-20)

    onehot = sel1.astype(jnp.float32) + sel2.astype(jnp.float32)
    incl = onehot
    step = 1
    while step < _T:
        shifted = jnp.pad(incl, ((step, 0), (0, 0)))[:_T]
        incl = incl + shifted
        step *= 2
    excl = incl - onehot
    pos1 = jnp.sum(jnp.where(sel1, excl, 0.0), axis=1, keepdims=True)
    pos2 = jnp.sum(jnp.where(sel2, excl, 0.0), axis=1, keepdims=True)
    pos1 = pos1.astype(jnp.int32)
    pos2 = pos2.astype(jnp.int32)
    valid1 = pos1 < _CAP
    valid2 = pos2 < _CAP

    slot1 = i1 * _CAP + jnp.minimum(pos1, _CAP - 1)
    slot2 = i2 * _CAP + jnp.minimum(pos2, _CAP - 1)
    d1_ref[...] = jnp.where(valid1, slot1, _SENT)
    d2_ref[...] = jnp.where(valid2, slot2, _SENT)
    s1_ref[...] = slot1
    s2_ref[...] = slot2
    w1_ref[...] = jnp.where(valid1, s1 / denom, 0.0)
    w2_ref[...] = jnp.where(valid2, s2 / denom, 0.0)
    cnt_ref[...] = incl[_T - 1:_T, :].astype(jnp.int32)


def _router(x, gate_weight, bias):
    out = pl.pallas_call(
        _router_body,
        out_shape=[
            jax.ShapeDtypeStruct((_T, 1), jnp.int32),
            jax.ShapeDtypeStruct((_T, 1), jnp.int32),
            jax.ShapeDtypeStruct((_T, 1), jnp.int32),
            jax.ShapeDtypeStruct((_T, 1), jnp.int32),
            jax.ShapeDtypeStruct((_T, 1), jnp.float32),
            jax.ShapeDtypeStruct((_T, 1), jnp.float32),
            jax.ShapeDtypeStruct((1, _E), jnp.int32),
        ],
    )(x, gate_weight.T, bias.reshape(1, _E))
    return [o.reshape(_T) for o in out[:6]] + [out[6].reshape(_E)]


def _expert_body(xs_ref, w1_ref, w3_ref, w2_ref, y_ref):
    xs = xs_ref[0]
    a = jnp.dot(xs, w1_ref[0], preferred_element_type=jnp.float32)
    b = jnp.dot(xs, w3_ref[0], preferred_element_type=jnp.float32)
    h = a * jax.nn.sigmoid(a) * b
    y_ref[0] = jnp.dot(h, w2_ref[0], preferred_element_type=jnp.float32)


def _experts(xs, w1, w3, w2):
    return pl.pallas_call(
        _expert_body,
        grid=(_E,),
        in_specs=[
            pl.BlockSpec((1, _CAP, _D), lambda e: (e, 0, 0)),
            pl.BlockSpec((1, _D, _F), lambda e: (e, 0, 0)),
            pl.BlockSpec((1, _D, _F), lambda e: (e, 0, 0)),
            pl.BlockSpec((1, _F, _D), lambda e: (e, 0, 0)),
        ],
        out_specs=pl.BlockSpec((1, _CAP, _D), lambda e: (e, 0, 0)),
        out_shape=jax.ShapeDtypeStruct((_E, _CAP, _D), jnp.float32),
    )(xs, w1, w3, w2)


_EPW = _E // _NW
_SPW = _EPW * _CAP
_GCH = 32


def _dispatch_body(d1_hbm, d2_hbm, cnt_hbm, x_hbm, xs_hbm, s1v, s2v, toks,
                   cntv, rowbuf, rowbuf2, sem, sem2, osem, osem2):
    wid = lax.axis_index("s") * _NC + lax.axis_index("c")
    pltpu.sync_copy(d1_hbm, s1v)
    pltpu.sync_copy(d2_hbm, s2v)
    pltpu.sync_copy(cnt_hbm, cntv.at[pl.ds(0, _E)])

    zeros = jnp.zeros((_L,), jnp.int32)

    def zbody(i, carry):
        toks[pl.ds(i * _L, _L)] = zeros
        return carry

    lax.fori_loop(0, _SPW // _L, zbody, 0)

    lanes = lax.broadcasted_iota(jnp.int32, (_L,), 0)
    lo = jnp.full((_L,), wid * _SPW, jnp.int32)
    span = jnp.full((_L,), _SPW, jnp.int32)
    dump = span + lanes

    def sbody(j, carry):
        tv = lanes + jnp.full((_L,), j * _L, jnp.int32)
        for sv in (s1v, s2v):
            rel = sv[pl.ds(j * _L, _L)] - lo
            ok = (rel >= zeros) & (rel < span)
            plsc.store_scatter(toks, [jnp.where(ok, rel, dump)], tv)
        return carry

    lax.fori_loop(0, _T // _L, sbody, 0)

    cv = cntv[pl.ds(_EPW * wid, _L)]
    for sub in range(_EPW):
        nch = (jnp.minimum(cv[sub], _CAP) + (_GCH - 1)) // _GCH
        ebase = (wid * _EPW + sub) * _CAP
        tbase = sub * _CAP

        def gbody(ci, carry, ebase=ebase, tbase=tbase):
            pltpu.async_copy(
                x_hbm.at[toks.at[pl.ds(tbase + ci * _GCH, _GCH)]],
                rowbuf, sem).wait()
            pltpu.sync_copy(
                rowbuf, xs_hbm.at[pl.ds(ebase + ci * _GCH, _GCH)])
            return carry

        lax.fori_loop(0, nch, gbody, 0)


def _dispatch(x, d1, d2, cnt):
    f = functools.partial(
        pl.kernel,
        out_type=jax.ShapeDtypeStruct((_E * _CAP, _D), jnp.float32),
        mesh=plsc.VectorSubcoreMesh(core_axis_name="c", subcore_axis_name="s"),
        compiler_params=pltpu.CompilerParams(needs_layout_passes=False),
        scratch_types=[
            pltpu.VMEM((_T,), jnp.int32),
            pltpu.VMEM((_T,), jnp.int32),
            pltpu.VMEM((_SPW + _L,), jnp.int32),
            pltpu.VMEM((_E + _L,), jnp.int32),
            pltpu.VMEM((_GCH, _D), jnp.float32),
            pltpu.VMEM((_GCH, _D), jnp.float32),
            pltpu.SemaphoreType.DMA,
            pltpu.SemaphoreType.DMA,
            pltpu.SemaphoreType.DMA,
            pltpu.SemaphoreType.DMA,
        ],
    )(_dispatch_body)
    return f(d1, d2, cnt, x)


_TPW = _T // _NW
_CCH = 32


def _combine_body(y_hbm, s1_hbm, s2_hbm, w1_hbm, w2_hbm, out_hbm,
                  s1v, s2v, w1v, w2v, y1buf, y2buf, sem1, sem2):
    wid = lax.axis_index("s") * _NC + lax.axis_index("c")
    for c in range(_TPW // _CCH):
        tb = wid * _TPW + c * _CCH
        pltpu.sync_copy(s1_hbm.at[pl.ds(tb, _CCH)], s1v)
        pltpu.sync_copy(s2_hbm.at[pl.ds(tb, _CCH)], s2v)
        pltpu.sync_copy(w1_hbm.at[pl.ds(tb, _CCH)], w1v.at[pl.ds(0, _CCH)])
        pltpu.sync_copy(w2_hbm.at[pl.ds(tb, _CCH)], w2v.at[pl.ds(0, _CCH)])
        cp1 = pltpu.async_copy(y_hbm.at[s1v], y1buf, sem1)
        cp2 = pltpu.async_copy(y_hbm.at[s2v], y2buf, sem2)
        cp1.wait()
        cp2.wait()

        def tbody(t, carry):
            a = jnp.broadcast_to(w1v[pl.ds(t, _L)][0], (_L,))
            b = jnp.broadcast_to(w2v[pl.ds(t, _L)][0], (_L,))

            def vbody(v, carry2):
                y1buf[t, pl.ds(v * _L, _L)] = (
                    y1buf[t, pl.ds(v * _L, _L)] * a
                    + y2buf[t, pl.ds(v * _L, _L)] * b)
                return carry2

            return lax.fori_loop(0, _D // _L, vbody, carry)

        lax.fori_loop(0, _CCH, tbody, 0)
        pltpu.sync_copy(y1buf, out_hbm.at[pl.ds(tb, _CCH)])


def _combine(y, slot1, slot2, cw1, cw2):
    f = functools.partial(
        pl.kernel,
        out_type=jax.ShapeDtypeStruct((_T, _D), jnp.float32),
        mesh=plsc.VectorSubcoreMesh(core_axis_name="c", subcore_axis_name="s"),
        compiler_params=pltpu.CompilerParams(needs_layout_passes=False),
        scratch_types=[
            pltpu.VMEM((_CCH,), jnp.int32),
            pltpu.VMEM((_CCH,), jnp.int32),
            pltpu.VMEM((_CCH + _L,), jnp.float32),
            pltpu.VMEM((_CCH + _L,), jnp.float32),
            pltpu.VMEM((_CCH, _D), jnp.float32),
            pltpu.VMEM((_CCH, _D), jnp.float32),
            pltpu.SemaphoreType.DMA,
            pltpu.SemaphoreType.DMA,
        ],
    )(_combine_body)
    return f(y, slot1, slot2, cw1, cw2)


def kernel(hidden_states, gate_weight, w1, w3, w2, e_score_correction_bias):
    x = hidden_states.reshape(_T, _D)
    d1, d2, slot1, slot2, cw1, cw2, cnt = _router(
        x, gate_weight, e_score_correction_bias)
    xs = _dispatch(x, d1, d2, cnt).reshape(_E, _CAP, _D)
    y = _experts(xs, w1, w3, w2).reshape(_E * _CAP, _D)
    out = _combine(y, slot1, slot2, cw1, cw2)
    return out.reshape(hidden_states.shape)

# --- scband reference (transcript-rebuilt; emitter-appended) ---
"""Pipeline reference for scband-laguna-mo-e-68264210203005 (READ-ONLY COPY).

The authoritative reference and input builder live on the scoring server;
editing this copy changes nothing except your own understanding.
"""

import jax, jax.numpy as jnp
import numpy as np

E = 64
TOP_K = 2
D_MODEL = 1024
D_FF = 256
T = 2048
CAPACITY = 256  # 4x average load T*TOP_K/E = 64; no drops expected with near-uniform routing
ROUTED_SCALING = 1.0


def setup_inputs(seed: int = 0):
    key = jax.random.key(seed)
    k0, k1, k2, k3, k4 = jax.random.split(key, 5)
    hidden_states = jax.random.normal(k0, (T, D_MODEL), dtype=jnp.float32)
    gate_weight = jax.random.normal(k1, (E, D_MODEL), dtype=jnp.float32) * 0.02
    w1 = jax.random.normal(k2, (E, D_MODEL, D_FF), dtype=jnp.float32) * 0.05
    w3 = jax.random.normal(k3, (E, D_MODEL, D_FF), dtype=jnp.float32) * 0.05
    w2 = jax.random.normal(k4, (E, D_FF, D_MODEL), dtype=jnp.float32) * 0.05
    e_score_correction_bias = jnp.zeros((E,), dtype=jnp.float32)
    return {
        "hidden_states": hidden_states,
        "gate_weight": gate_weight,
        "w1": w1,
        "w3": w3,
        "w2": w2,
        "e_score_correction_bias": e_score_correction_bias,
    }


def _moe_forward(hidden_states, gate_weight, w1, w3, w2, e_score_correction_bias):
    orig_shape = hidden_states.shape
    x = hidden_states.reshape(-1, D_MODEL)
    # LagunaGate: router logits = hidden @ W^T (cublas_mm equivalent)
    router_logits = x @ gate_weight.T
    # MiniMaxM2 sigmoid routing with e_score_correction_bias:
    # selection uses sigmoid(logits) + bias; combine weights use raw sigmoid scores, renormalized over top-k
    scores = jax.nn.sigmoid(router_logits.astype(jnp.float32))
    scores_for_choice = scores + e_score_correction_bias[None, :]
    _, topk_idx = jax.lax.top_k(scores_for_choice, TOP_K)  # [T, K] int
    topk_w = jnp.take_along_axis(scores, topk_idx, axis=1)  # [T, K]
    topk_w = topk_w / (jnp.sum(topk_w, axis=1, keepdims=True) + 1e-20)
    out = jnp.zeros_like(x)
    # expert-parallel dispatch: gather routed tokens per expert (capacity-padded; pad tokens have weight 0)
    for e in range(E):
        w_e = jnp.sum(jnp.where(topk_idx == e, topk_w, 0.0), axis=1)  # [T]
        sel = (w_e > 0.0).astype(jnp.int32)
        order = jnp.argsort(1 - sel)  # selected tokens first (stable)
        idx = order[:CAPACITY]
        xe = x[idx]  # gather [CAPACITY, D_MODEL]
        h = jax.nn.silu(xe @ w1[e]) * (xe @ w3[e])  # gated MLP expert (SwiGLU)
        ye = h @ w2[e]
        out = out.at[idx].add(ye * w_e[idx][:, None])  # scatter-add combine
    final = out * ROUTED_SCALING  # routed_scaling_factor == 1.0 -> no-op, kept for fidelity
    # shared_expert_intermediate_size == 0 -> no shared expert; tp_size == 1 -> no allreduce
    return final.reshape(orig_shape)


def reference(hidden_states, gate_weight, w1, w3, w2, e_score_correction_bias):
    return _moe_forward(hidden_states, gate_weight, w1, w3, w2, e_score_correction_bias)

if __name__ == "__main__":
    import jax
    _d = setup_inputs()
    print(jax.jit(kernel)(*tuple(_d.values())))

</pallas_src>

<mosaic_0001>
#map = affine_map<(d0, d1) -> (0, 0)>
#map1 = affine_map<(d0, d1) -> (0)>
module attributes {stable_mosaic.version = 14 : i64} {
  func.func @_combine_body(%arg0: i32, %arg1: i32, %arg2: memref<16384x1024xf32, #tpu.memory_space<hbm>>, %arg3: memref<2048xi32, #tpu.memory_space<hbm>>, %arg4: memref<2048xi32, #tpu.memory_space<hbm>>, %arg5: memref<2048xf32, #tpu.memory_space<hbm>>, %arg6: memref<2048xf32, #tpu.memory_space<hbm>>, %arg7: memref<2048x1024xf32, #tpu.memory_space<hbm>>, %arg8: memref<32xi32, #tpu.memory_space<vmem>>, %arg9: memref<32xi32, #tpu.memory_space<vmem>>, %arg10: memref<48xf32, #tpu.memory_space<vmem>>, %arg11: memref<48xf32, #tpu.memory_space<vmem>>, %arg12: memref<32x1024xf32, #tpu.memory_space<vmem>>, %arg13: memref<32x1024xf32, #tpu.memory_space<vmem>>, %arg14: memref<!tpu.dma_semaphore, #tpu.memory_space<semaphore_mem>>, %arg15: memref<!tpu.dma_semaphore, #tpu.memory_space<semaphore_mem>>) attributes {dimension_semantics = [#tpu.dimension_semantics<core_parallel>, #tpu.dimension_semantics<subcore_parallel>], iteration_bounds = array<i64: 2, 16>, scalar_prefetch = 0 : i64, scratch_operands = 8 : i64, tpu.core_type = #tpu.core_type<sc_vector_subcore>, window_params = [{transform_indices = #map}, {transform_indices = #map1}, {transform_indices = #map1}, {transform_indices = #map1}, {transform_indices = #map1}, {transform_indices = #map}]} {
    %mul3A = arith.constant 2 : i32
    %mul3A_0 = arith.muli %arg1, %mul3A : i32
    %add3A = arith.addi %mul3A_0, %arg0 : i32
    %mul3A_1 = arith.constant 64 : i32
    %mul3A_2 = arith.muli %add3A, %mul3A_1 : i32
    %add3A_3 = arith.constant 0 : i32
    %add3A_4 = arith.addi %mul3A_2, %add3A_3 : i32
    "tpu.region"() ({
      %run_scoped3A = tpu.sem_alloc : memref<!tpu.dma_semaphore, #tpu.memory_space<semaphore_mem>>
      %dma_start3A_42 = tpu.memref_slice %arg3[%add3A_4] : memref<2048xi32, #tpu.memory_space<hbm>> -> memref<32xi32, #tpu.memory_space<hbm>>
      %dma_start3A_43 = tpu.memref_slice %arg3[%add3A_4] : memref<2048xi32, #tpu.memory_space<hbm>> -> memref<32xi32, #tpu.memory_space<hbm>>
      tpu.enqueue_dma source(%dma_start3A_43 : memref<32xi32, #tpu.memory_space<hbm>>) target(%arg8 : memref<32xi32, #tpu.memory_space<vmem>>) target_semaphore(%run_scoped3A : memref<!tpu.dma_semaphore, #tpu.memory_space<semaphore_mem>>)
      %dma_wait3A_44 = tpu.memref_slice %arg3[%add3A_4] : memref<2048xi32, #tpu.memory_space<hbm>> -> memref<32xi32, #tpu.memory_space<hbm>>
      %dma_wait3A_45 = tpu.memref_slice %arg3[%add3A_4] : memref<2048xi32, #tpu.memory_space<hbm>> -> memref<32xi32, #tpu.memory_space<hbm>>
      tpu.wait_dma2 semaphore(%run_scoped3A : memref<!tpu.dma_semaphore, #tpu.memory_space<semaphore_mem>>) src(%dma_wait3A_45 : memref<32xi32, #tpu.memory_space<hbm>>) dst(%arg8 : memref<32xi32, #tpu.memory_space<vmem>>)
      tpu.yield
    }) : () -> ()
    "tpu.region"() ({
      %run_scoped3A = tpu.sem_alloc : memref<!tpu.dma_semaphore, #tpu.memory_space<semaphore_mem>>
      %dma_start3A_42 = tpu.memref_slice %arg4[%add3A_4] : memref<2048xi32, #tpu.memory_space<hbm>> -> memref<32xi32, #tpu.memory_space<hbm>>
      %dma_start3A_43 = tpu.memref_slice %arg4[%add3A_4] : memref<2048xi32, #tpu.memory_space<hbm>> -> memref<32xi32, #tpu.memory_space<hbm>>
      tpu.enqueue_dma source(%dma_start3A_43 : memref<32xi32, #tpu.memory_space<hbm>>) target(%arg9 : memref<32xi32, #tpu.memory_space<vmem>>) target_semaphore(%run_scoped3A : memref<!tpu.dma_semaphore, #tpu.memory_space<semaphore_mem>>)
      %dma_wait3A_44 = tpu.memref_slice %arg4[%add3A_4] : memref<2048xi32, #tpu.memory_space<hbm>> -> memref<32xi32, #tpu.memory_space<hbm>>
      %dma_wait3A_45 = tpu.memref_slice %arg4[%add3A_4] : memref<2048xi32, #tpu.memory_space<hbm>> -> memref<32xi32, #tpu.memory_space<hbm>>
      tpu.wait_dma2 semaphore(%run_scoped3A : memref<!tpu.dma_semaphore, #tpu.memory_space<semaphore_mem>>) src(%dma_wait3A_45 : memref<32xi32, #tpu.memory_space<hbm>>) dst(%arg9 : memref<32xi32, #tpu.memory_space<vmem>>)
      tpu.yield
    }) : () -> ()
    "tpu.region"() ({
      %run_scoped3A = tpu.sem_alloc : memref<!tpu.dma_semaphore, #tpu.memory_space<semaphore_mem>>
      %dma_start3A_42 = arith.constant 0 : i32
      %dma_start3A_43 = tpu.memref_slice %arg10[%dma_start3A_42] : memref<48xf32, #tpu.memory_space<vmem>> -> memref<32xf32, #tpu.memory_space<vmem>>
      %dma_start3A_44 = tpu.memref_slice %arg5[%add3A_4] : memref<2048xf32, #tpu.memory_space<hbm>> -> memref<32xf32, #tpu.memory_space<hbm>>
      %dma_start3A_45 = arith.constant 0 : i32
      %dma_start3A_46 = tpu.memref_slice %arg10[%dma_start3A_45] : memref<48xf32, #tpu.memory_space<vmem>> -> memref<32xf32, #tpu.memory_space<vmem>>
      %dma_start3A_47 = tpu.memref_slice %arg5[%add3A_4] : memref<2048xf32, #tpu.memory_space<hbm>> -> memref<32xf32, #tpu.memory_space<hbm>>
      tpu.enqueue_dma source(%dma_start3A_47 : memref<32xf32, #tpu.memory_space<hbm>>) target(%dma_start3A_46 : memref<32xf32, #tpu.memory_space<vmem>>) target_semaphore(%run_scoped3A : memref<!tpu.dma_semaphore, #tpu.memory_space<semaphore_mem>>)
      %dma_wait3A_48 = arith.constant 0 : i32
      %dma_wait3A_49 = tpu.memref_slice %arg10[%dma_wait3A_48] : memref<48xf32, #tpu.memory_space<vmem>> -> memref<32xf32, #tpu.memory_space<vmem>>
      %dma_wait3A_50 = tpu.memref_slice %arg5[%add3A_4] : memref<2048xf32, #tpu.memory_space<hbm>> -> memref<32xf32, #tpu.memory_space<hbm>>
      %dma_wait3A_51 = arith.constant 0 : i32
      %dma_wait3A_52 = tpu.memref_slice %arg10[%dma_wait3A_51] : memref<48xf32, #tpu.memory_space<vmem>> -> memref<32xf32, #tpu.memory_space<vmem>>
      %dma_wait3A_53 = tpu.memref_slice %arg5[%add3A_4] : memref<2048xf32, #tpu.memory_space<hbm>> -> memref<32xf32, #tpu.memory_space<hbm>>
      tpu.wait_dma2 semaphore(%run_scoped3A : memref<!tpu.dma_semaphore, #tpu.memory_space<semaphore_mem>>) src(%dma_wait3A_53 : memref<32xf32, #tpu.memory_space<hbm>>) dst(%dma_wait3A_52 : memref<32xf32, #tpu.memory_space<vmem>>)
      tpu.yield
    }) : () -> ()
    "tpu.region"() ({
      %run_scoped3A = tpu.sem_alloc : memref<!tpu.dma_semaphore, #tpu.memory_space<semaphore_mem>>
      %dma_start3A_42 = arith.constant 0 : i32
      %dma_start3A_43 = tpu.memref_slice %arg11[%dma_start3A_42] : memref<48xf32, #tpu.memory_space<vmem>> -> memref<32xf32, #tpu.memory_space<vmem>>
      %dma_start3A_44 = tpu.memref_slice %arg6[%add3A_4] : memref<2048xf32, #tpu.memory_space<hbm>> -> memref<32xf32, #tpu.memory_space<hbm>>
      %dma_start3A_45 = arith.constant 0 : i32
      %dma_start3A_46 = tpu.memref_slice %arg11[%dma_start3A_45] : memref<48xf32, #tpu.memory_space<vmem>> -> memref<32xf32, #tpu.memory_space<vmem>>
      %dma_start3A_47 = tpu.memref_slice %arg6[%add3A_4] : memref<2048xf32, #tpu.memory_space<hbm>> -> memref<32xf32, #tpu.memory_space<hbm>>
      tpu.enqueue_dma source(%dma_start3A_47 : memref<32xf32, #tpu.memory_space<hbm>>) target(%dma_start3A_46 : memref<32xf32, #tpu.memory_space<vmem>>) target_semaphore(%run_scoped3A : memref<!tpu.dma_semaphore, #tpu.memory_space<semaphore_mem>>)
      %dma_wait3A_48 = arith.constant 0 : i32
      %dma_wait3A_49 = tpu.memref_slice %arg11[%dma_wait3A_48] : memref<48xf32, #tpu.memory_space<vmem>> -> memref<32xf32, #tpu.memory_space<vmem>>
      %dma_wait3A_50 = tpu.memref_slice %arg6[%add3A_4] : memref<2048xf32, #tpu.memory_space<hbm>> -> memref<32xf32, #tpu.memory_space<hbm>>
      %dma_wait3A_51 = arith.constant 0 : i32
      %dma_wait3A_52 = tpu.memref_slice %arg11[%dma_wait3A_51] : memref<48xf32, #tpu.memory_space<vmem>> -> memref<32xf32, #tpu.memory_space<vmem>>
      %dma_wait3A_53 = tpu.memref_slice %arg6[%add3A_4] : memref<2048xf32, #tpu.memory_space<hbm>> -> memref<32xf32, #tpu.memory_space<hbm>>
      tpu.wait_dma2 semaphore(%run_scoped3A : memref<!tpu.dma_semaphore, #tpu.memory_space<semaphore_mem>>) src(%dma_wait3A_53 : memref<32xf32, #tpu.memory_space<hbm>>) dst(%dma_wait3A_52 : memref<32xf32, #tpu.memory_space<vmem>>)
      tpu.yield
    }) : () -> ()
    %dma_start3A = arith.constant 0 : i32
    %dma_start3A_5 = arith.constant 0 : i32
    %dma_start3A_6 = tpu.memref_slice %arg2[%dma_start3A, %dma_start3A_5] : memref<16384x1024xf32, #tpu.memory_space<hbm>> -> memref<16384x1024xf32, #tpu.memory_space<hbm>>
    tpu.enqueue_indirect_dma source(%dma_start3A_6 : memref<16384x1024xf32, #tpu.memory_space<hbm>>) target(%arg12 : memref<32x1024xf32, #tpu.memory_space<vmem>>) offsets(%arg8 : memref<32xi32, #tpu.memory_space<vmem>>) semaphore(%arg14 : memref<!tpu.dma_semaphore, #tpu.memory_space<semaphore_mem>>)
    %dma_start3A_7 = arith.constant 0 : i32
    %dma_start3A_8 = arith.constant 0 : i32
    %dma_start3A_9 = tpu.memref_slice %arg2[%dma_start3A_7, %dma_start3A_8] : memref<16384x1024xf32, #tpu.memory_space<hbm>> -> memref<16384x1024xf32, #tpu.memory_space<hbm>>
    tpu.enqueue_indirect_dma source(%dma_start3A_9 : memref<16384x1024xf32, #tpu.memory_space<hbm>>) target(%arg13 : memref<32x1024xf32, #tpu.memory_space<vmem>>) offsets(%arg9 : memref<32xi32, #tpu.memory_space<vmem>>) semaphore(%arg15 : memref<!tpu.dma_semaphore, #tpu.memory_space<semaphore_mem>>)
    %dma_wait3A = arith.constant 0 : i32
    %dma_wait3A_10 = arith.constant 0 : i32
    %dma_wait3A_11 = tpu.memref_slice %arg2[%dma_wait3A, %dma_wait3A_10] : memref<16384x1024xf32, #tpu.memory_space<hbm>> -> memref<16384x1024xf32, #tpu.memory_space<hbm>>
    tpu.wait_indirect_dma semaphore(%arg14 : memref<!tpu.dma_semaphore, #tpu.memory_space<semaphore_mem>>) src(%dma_wait3A_11 : memref<16384x1024xf32, #tpu.memory_space<hbm>>) dst(%arg12 : memref<32x1024xf32, #tpu.memory_space<vmem>>)
    %dma_wait3A_12 = arith.constant 0 : i32
    %dma_wait3A_13 = arith.constant 0 : i32
    %dma_wait3A_14 = tpu.memref_slice %arg2[%dma_wait3A_12, %dma_wait3A_13] : memref<16384x1024xf32, #tpu.memory_space<hbm>> -> memref<16384x1024xf32, #tpu.memory_space<hbm>>
    tpu.wait_indirect_dma semaphore(%arg15 : memref<!tpu.dma_semaphore, #tpu.memory_space<semaphore_mem>>) src(%dma_wait3A_14 : memref<16384x1024xf32, #tpu.memory_space<hbm>>) dst(%arg13 : memref<32x1024xf32, #tpu.memory_space<vmem>>)
    %scan3A = arith.constant 0 : i32
    %scan3A_15 = arith.constant 0 : i32
    %scan3A_16 = arith.constant 32 : i32
    %scan3A_17 = arith.addi %scan3A_15, %scan3A_16 : i32
    %scan3A_18 = arith.constant 1 : i32
    scf.for %scan3A_42 = %scan3A_15 to %scan3A_17 step %scan3A_18  : i32 {
      %get3A = arith.index_cast %scan3A_42 : i32 to index
      %get3A_43 = tpu.vector_load %arg10[%get3A] {strides = array<i32>} : memref<48xf32, #tpu.memory_space<vmem>>, vector<16xf32>,
      %slice3A = vector.extract_strided_slice %get3A_43 {offsets = [0], sizes = [1], strides = [1]} : vector<16xf32> to vector<1xf32>
      %squeeze3A = vector.extract %slice3A[0] : f32 from vector<1xf32>
      %broadcast_in_dim3A = vector.broadcast %squeeze3A : f32 to vector<16xf32>
      %get3A_44 = arith.index_cast %scan3A_42 : i32 to index
      %get3A_45 = tpu.vector_load %arg11[%get3A_44] {strides = array<i32>} : memref<48xf32, #tpu.memory_space<vmem>>, vector<16xf32>,
      %slice3A_46 = vector.extract_strided_slice %get3A_45 {offsets = [0], sizes = [1], strides = [1]} : vector<16xf32> to vector<1xf32>
      %squeeze3A_47 = vector.extract %slice3A_46[0] : f32 from vector<1xf32>
      %broadcast_in_dim3A_48 = vector.broadcast %squeeze3A_47 : f32 to vector<16xf32>
      %scan3A_49 = arith.constant 0 : i32
      %scan3A_50 = arith.constant 64 : i32
      %scan3A_51 = arith.addi %scan3A_49, %scan3A_50 : i32
      %scan3A_52 = arith.constant 1 : i32
      scf.for %scan3A_54 = %scan3A_49 to %scan3A_51 step %scan3A_52  : i32 {
        %mul3A_55 = arith.constant 16 : i32
        %mul3A_56 = arith.muli %scan3A_54, %mul3A_55 : i32
        %get3A_57 = arith.index_cast %scan3A_42 : i32 to index
        %get3A_58 = arith.index_cast %mul3A_56 : i32 to index
        %get3A_59 = tpu.vector_load %arg12[%get3A_57, %get3A_58] {strides = array<i32>} : memref<32x1024xf32, #tpu.memory_space<vmem>>, vector<16xf32>,
        %mul3A_60 = arith.mulf %get3A_59, %broadcast_in_dim3A : vector<16xf32>
        %mul3A_61 = arith.constant 16 : i32
        %mul3A_62 = arith.muli %scan3A_54, %mul3A_61 : i32
        %get3A_63 = arith.index_cast %scan3A_42 : i32 to index
        %get3A_64 = arith.index_cast %mul3A_62 : i32 to index
        %get3A_65 = tpu.vector_load %arg13[%get3A_63, %get3A_64] {strides = array<i32>} : memref<32x1024xf32, #tpu.memory_space<vmem>>, vector<16xf32>,
        %mul3A_66 = arith.mulf %get3A_65, %broadcast_in_dim3A_48 : vector<16xf32>
        %add3A_67 = arith.addf %mul3A_60, %mul3A_66 : vector<16xf32>
        %mul3A_68 = arith.constant 16 : i32
        %mul3A_69 = arith.muli %scan3A_54, %mul3A_68 : i32
        %swap3A = arith.index_cast %scan3A_42 : i32 to index
        %swap3A_70 = arith.index_cast %mul3A_69 : i32 to index
        %swap3A_71 = tpu.vector_load %arg12[%swap3A, %swap3A_70] {strides = array<i32>} : memref<32x1024xf32, #tpu.memory_space<vmem>>, vector<16xf32>,
        tpu.vector_store %arg12[%swap3A, %swap3A_70], %add3A_67 {strides = array<i32>} : memref<32x1024xf32, #tpu.memory_space<vmem>>, vector<16xf32>,
      }
      %scan3A_53 = arith.constant 64 : i32
    }
    %scan3A_19 = arith.constant 32 : i32
    "tpu.region"() ({
      %run_scoped3A = tpu.sem_alloc : memref<!tpu.dma_semaphore, #tpu.memory_space<semaphore_mem>>
      %dma_start3A_42 = arith.constant 0 : i32
      %dma_start3A_43 = tpu.memref_slice %arg7[%add3A_4, %dma_start3A_42] : memref<2048x1024xf32, #tpu.memory_space<hbm>> -> memref<32x1024xf32, #tpu.memory_space<hbm>>
      %dma_start3A_44 = arith.constant 0 : i32
      %dma_start3A_45 = tpu.memref_slice %arg7[%add3A_4, %dma_start3A_44] : memref<2048x1024xf32, #tpu.memory_space<hbm>> -> memref<32x1024xf32, #tpu.memory_space<hbm>>
      tpu.enqueue_dma source(%arg12 : memref<32x1024xf32, #tpu.memory_space<vmem>>) target(%dma_start3A_45 : memref<32x1024xf32, #tpu.memory_space<hbm>>) target_semaphore(%run_scoped3A : memref<!tpu.dma_semaphore, #tpu.memory_space<semaphore_mem>>)
      %dma_wait3A_46 = arith.constant 0 : i32
      %dma_wait3A_47 = tpu.memref_slice %arg7[%add3A_4, %dma_wait3A_46] : memref<2048x1024xf32, #tpu.memory_space<hbm>> -> memref<32x1024xf32, #tpu.memory_space<hbm>>
      %dma_wait3A_48 = arith.constant 0 : i32
      %dma_wait3A_49 = tpu.memref_slice %arg7[%add3A_4, %dma_wait3A_48] : memref<2048x1024xf32, #tpu.memory_space<hbm>> -> memref<32x1024xf32, #tpu.memory_space<hbm>>
      tpu.wait_dma2 semaphore(%run_scoped3A : memref<!tpu.dma_semaphore, #tpu.memory_space<semaphore_mem>>) src(%arg12 : memref<32x1024xf32, #tpu.memory_space<vmem>>) dst(%dma_wait3A_49 : memref<32x1024xf32, #tpu.memory_space<hbm>>)
      tpu.yield
    }) : () -> ()
    %mul3A_20 = arith.constant 64 : i32
    %mul3A_21 = arith.muli %add3A, %mul3A_20 : i32
    %add3A_22 = arith.constant 32 : i32
    %add3A_23 = arith.addi %mul3A_21, %add3A_22 : i32
    "tpu.region"() ({
      %run_scoped3A = tpu.sem_alloc : memref<!tpu.dma_semaphore, #tpu.memory_space<semaphore_mem>>
      %dma_start3A_42 = tpu.memref_slice %arg3[%add3A_23] : memref<2048xi32, #tpu.memory_space<hbm>> -> memref<32xi32, #tpu.memory_space<hbm>>
      %dma_start3A_43 = tpu.memref_slice %arg3[%add3A_23] : memref<2048xi32, #tpu.memory_space<hbm>> -> memref<32xi32, #tpu.memory_space<hbm>>
      tpu.enqueue_dma source(%dma_start3A_43 : memref<32xi32, #tpu.memory_space<hbm>>) target(%arg8 : memref<32xi32, #tpu.memory_space<vmem>>) target_semaphore(%run_scoped3A : memref<!tpu.dma_semaphore, #tpu.memory_space<semaphore_mem>>)
      %dma_wait3A_44 = tpu.memref_slice %arg3[%add3A_23] : memref<2048xi32, #tpu.memory_space<hbm>> -> memref<32xi32, #tpu.memory_space<hbm>>
      %dma_wait3A_45 = tpu.memref_slice %arg3[%add3A_23] : memref<2048xi32, #tpu.memory_space<hbm>> -> memref<32xi32, #tpu.memory_space<hbm>>
      tpu.wait_dma2 semaphore(%run_scoped3A : memref<!tpu.dma_semaphore, #tpu.memory_space<semaphore_mem>>) src(%dma_wait3A_45 : memref<32xi32, #tpu.memory_space<hbm>>) dst(%arg8 : memref<32xi32, #tpu.memory_space<vmem>>)
      tpu.yield
    }) : () -> ()
    "tpu.region"() ({
      %run_scoped3A = tpu.sem_alloc : memref<!tpu.dma_semaphore, #tpu.memory_space<semaphore_mem>>
      %dma_start3A_42 = tpu.memref_slice %arg4[%add3A_23] : memref<2048xi32, #tpu.memory_space<hbm>> -> memref<32xi32, #tpu.memory_space<hbm>>
      %dma_start3A_43 = tpu.memref_slice %arg4[%add3A_23] : memref<2048xi32, #tpu.memory_space<hbm>> -> memref<32xi32, #tpu.memory_space<hbm>>
      tpu.enqueue_dma source(%dma_start3A_43 : memref<32xi32, #tpu.memory_space<hbm>>) target(%arg9 : memref<32xi32, #tpu.memory_space<vmem>>) target_semaphore(%run_scoped3A : memref<!tpu.dma_semaphore, #tpu.memory_space<semaphore_mem>>)
      %dma_wait3A_44 = tpu.memref_slice %arg4[%add3A_23] : memref<2048xi32, #tpu.memory_space<hbm>> -> memref<32xi32, #tpu.memory_space<hbm>>
      %dma_wait3A_45 = tpu.memref_slice %arg4[%add3A_23] : memref<2048xi32, #tpu.memory_space<hbm>> -> memref<32xi32, #tpu.memory_space<hbm>>
      tpu.wait_dma2 semaphore(%run_scoped3A : memref<!tpu.dma_semaphore, #tpu.memory_space<semaphore_mem>>) src(%dma_wait3A_45 : memref<32xi32, #tpu.memory_space<hbm>>) dst(%arg9 : memref<32xi32, #tpu.memory_space<vmem>>)
      tpu.yield
    }) : () -> ()
    "tpu.region"() ({
      %run_scoped3A = tpu.sem_alloc : memref<!tpu.dma_semaphore, #tpu.memory_space<semaphore_mem>>
      %dma_start3A_42 = arith.constant 0 : i32
      %dma_start3A_43 = tpu.memref_slice %arg10[%dma_start3A_42] : memref<48xf32, #tpu.memory_space<vmem>> -> memref<32xf32, #tpu.memory_space<vmem>>
      %dma_start3A_44 = tpu.memref_slice %arg5[%add3A_23] : memref<2048xf32, #tpu.memory_space<hbm>> -> memref<32xf32, #tpu.memory_space<hbm>>
      %dma_start3A_45 = arith.constant 0 : i32
      %dma_start3A_46 = tpu.memref_slice %arg10[%dma_start3A_45] : memref<48xf32, #tpu.memory_space<vmem>> -> memref<32xf32, #tpu.memory_space<vmem>>
      %dma_start3A_47 = tpu.memref_slice %arg5[%add3A_23] : memref<2048xf32, #tpu.memory_space<hbm>> -> memref<32xf32, #tpu.memory_space<hbm>>
      tpu.enqueue_dma source(%dma_start3A_47 : memref<32xf32, #tpu.memory_space<hbm>>) target(%dma_start3A_46 : memref<32xf32, #tpu.memory_space<vmem>>) target_semaphore(%run_scoped3A : memref<!tpu.dma_semaphore, #tpu.memory_space<semaphore_mem>>)
      %dma_wait3A_48 = arith.constant 0 : i32
      %dma_wait3A_49 = tpu.memref_slice %arg10[%dma_wait3A_48] : memref<48xf32, #tpu.memory_space<vmem>> -> memref<32xf32, #tpu.memory_space<vmem>>
      %dma_wait3A_50 = tpu.memref_slice %arg5[%add3A_23] : memref<2048xf32, #tpu.memory_space<hbm>> -> memref<32xf32, #tpu.memory_space<hbm>>
      %dma_wait3A_51 = arith.constant 0 : i32
      %dma_wait3A_52 = tpu.memref_slice %arg10[%dma_wait3A_51] : memref<48xf32, #tpu.memory_space<vmem>> -> memref<32xf32, #tpu.memory_space<vmem>>
      %dma_wait3A_53 = tpu.memref_slice %arg5[%add3A_23] : memref<2048xf32, #tpu.memory_space<hbm>> -> memref<32xf32, #tpu.memory_space<hbm>>
      tpu.wait_dma2 semaphore(%run_scoped3A : memref<!tpu.dma_semaphore, #tpu.memory_space<semaphore_mem>>) src(%dma_wait3A_53 : memref<32xf32, #tpu.memory_space<hbm>>) dst(%dma_wait3A_52 : memref<32xf32, #tpu.memory_space<vmem>>)
      tpu.yield
    }) : () -> ()
    "tpu.region"() ({
      %run_scoped3A = tpu.sem_alloc : memref<!tpu.dma_semaphore, #tpu.memory_space<semaphore_mem>>
      %dma_start3A_42 = arith.constant 0 : i32
      %dma_start3A_43 = tpu.memref_slice %arg11[%dma_start3A_42] : memref<48xf32, #tpu.memory_space<vmem>> -> memref<32xf32, #tpu.memory_space<vmem>>
      %dma_start3A_44 = tpu.memref_slice %arg6[%add3A_23] : memref<2048xf32, #tpu.memory_space<hbm>> -> memref<32xf32, #tpu.memory_space<hbm>>
      %dma_start3A_45 = arith.constant 0 : i32
      %dma_start3A_46 = tpu.memref_slice %arg11[%dma_start3A_45] : memref<48xf32, #tpu.memory_space<vmem>> -> memref<32xf32, #tpu.memory_space<vmem>>
      %dma_start3A_47 = tpu.memref_slice %arg6[%add3A_23] : memref<2048xf32, #tpu.memory_space<hbm>> -> memref<32xf32, #tpu.memory_space<hbm>>
      tpu.enqueue_dma source(%dma_start3A_47 : memref<32xf32, #tpu.memory_space<hbm>>) target(%dma_start3A_46 : memref<32xf32, #tpu.memory_space<vmem>>) target_semaphore(%run_scoped3A : memref<!tpu.dma_semaphore, #tpu.memory_space<semaphore_mem>>)
      %dma_wait3A_48 = arith.constant 0 : i32
      %dma_wait3A_49 = tpu.memref_slice %arg11[%dma_wait3A_48] : memref<48xf32, #tpu.memory_space<vmem>> -> memref<32xf32, #tpu.memory_space<vmem>>
      %dma_wait3A_50 = tpu.memref_slice %arg6[%add3A_23] : memref<2048xf32, #tpu.memory_space<hbm>> -> memref<32xf32, #tpu.memory_space<hbm>>
      %dma_wait3A_51 = arith.constant 0 : i32
      %dma_wait3A_52 = tpu.memref_slice %arg11[%dma_wait3A_51] : memref<48xf32, #tpu.memory_space<vmem>> -> memref<32xf32, #tpu.memory_space<vmem>>
      %dma_wait3A_53 = tpu.memref_slice %arg6[%add3A_23] : memref<2048xf32, #tpu.memory_space<hbm>> -> memref<32xf32, #tpu.memory_space<hbm>>
      tpu.wait_dma2 semaphore(%run_scoped3A : memref<!tpu.dma_semaphore, #tpu.memory_space<semaphore_mem>>) src(%dma_wait3A_53 : memref<32xf32, #tpu.memory_space<hbm>>) dst(%dma_wait3A_52 : memref<32xf32, #tpu.memory_space<vmem>>)
      tpu.yield
    }) : () -> ()
    %dma_start3A_24 = arith.constant 0 : i32
    %dma_start3A_25 = arith.constant 0 : i32
    %dma_start3A_26 = tpu.memref_slice %arg2[%dma_start3A_24, %dma_start3A_25] : memref<16384x1024xf32, #tpu.memory_space<hbm>> -> memref<16384x1024xf32, #tpu.memory_space<hbm>>
    tpu.enqueue_indirect_dma source(%dma_start3A_26 : memref<16384x1024xf32, #tpu.memory_space<hbm>>) target(%arg12 : memref<32x1024xf32, #tpu.memory_space<vmem>>) offsets(%arg8 : memref<32xi32, #tpu.memory_space<vmem>>) semaphore(%arg14 : memref<!tpu.dma_semaphore, #tpu.memory_space<semaphore_mem>>)
    %dma_start3A_27 = arith.constant 0 : i32
    %dma_start3A_28 = arith.constant 0 : i32
    %dma_start3A_29 = tpu.memref_slice %arg2[%dma_start3A_27, %dma_start3A_28] : memref<16384x1024xf32, #tpu.memory_space<hbm>> -> memref<16384x1024xf32, #tpu.memory_space<hbm>>
    tpu.enqueue_indirect_dma source(%dma_start3A_29 : memref<16384x1024xf32, #tpu.memory_space<hbm>>) target(%arg13 : memref<32x1024xf32, #tpu.memory_space<vmem>>) offsets(%arg9 : memref<32xi32, #tpu.memory_space<vmem>>) semaphore(%arg15 : memref<!tpu.dma_semaphore, #tpu.memory_space<semaphore_mem>>)
    %dma_wait3A_30 = arith.constant 0 : i32
    %dma_wait3A_31 = arith.constant 0 : i32
    %dma_wait3A_32 = tpu.memref_slice %arg2[%dma_wait3A_30, %dma_wait3A_31] : memref<16384x1024xf32, #tpu.memory_space<hbm>> -> memref<16384x1024xf32, #tpu.memory_space<hbm>>
    tpu.wait_indirect_dma semaphore(%arg14 : memref<!tpu.dma_semaphore, #tpu.memory_space<semaphore_mem>>) src(%dma_wait3A_32 : memref<16384x1024xf32, #tpu.memory_space<hbm>>) dst(%arg12 : memref<32x1024xf32, #tpu.memory_space<vmem>>)
    %dma_wait3A_33 = arith.constant 0 : i32
    %dma_wait3A_34 = arith.constant 0 : i32
    %dma_wait3A_35 = tpu.memref_slice %arg2[%dma_wait3A_33, %dma_wait3A_34] : memref<16384x1024xf32, #tpu.memory_space<hbm>> -> memref<16384x1024xf32, #tpu.memory_space<hbm>>
    tpu.wait_indirect_dma semaphore(%arg15 : memref<!tpu.dma_semaphore, #tpu.memory_space<semaphore_mem>>) src(%dma_wait3A_35 : memref<16384x1024xf32, #tpu.memory_space<hbm>>) dst(%arg13 : memref<32x1024xf32, #tpu.memory_space<vmem>>)
    %scan3A_36 = arith.constant 0 : i32
    %scan3A_37 = arith.constant 0 : i32
    %scan3A_38 = arith.constant 32 : i32
    %scan3A_39 = arith.addi %scan3A_37, %scan3A_38 : i32
    %scan3A_40 = arith.constant 1 : i32
    scf.for %scan3A_42 = %scan3A_37 to %scan3A_39 step %scan3A_40  : i32 {
      %get3A = arith.index_cast %scan3A_42 : i32 to index
      %get3A_43 = tpu.vector_load %arg10[%get3A] {strides = array<i32>} : memref<48xf32, #tpu.memory_space<vmem>>, vector<16xf32>,
      %slice3A = vector.extract_strided_slice %get3A_43 {offsets = [0], sizes = [1], strides = [1]} : vector<16xf32> to vector<1xf32>
      %squeeze3A = vector.extract %slice3A[0] : f32 from vector<1xf32>
      %broadcast_in_dim3A = vector.broadcast %squeeze3A : f32 to vector<16xf32>
      %get3A_44 = arith.index_cast %scan3A_42 : i32 to index
      %get3A_45 = tpu.vector_load %arg11[%get3A_44] {strides = array<i32>} : memref<48xf32, #tpu.memory_space<vmem>>, vector<16xf32>,
      %slice3A_46 = vector.extract_strided_slice %get3A_45 {offsets = [0], sizes = [1], strides = [1]} : vector<16xf32> to vector<1xf32>
      %squeeze3A_47 = vector.extract %slice3A_46[0] : f32 from vector<1xf32>
      %broadcast_in_dim3A_48 = vector.broadcast %squeeze3A_47 : f32 to vector<16xf32>
      %scan3A_49 = arith.constant 0 : i32
      %scan3A_50 = arith.constant 64 : i32
      %scan3A_51 = arith.addi %scan3A_49, %scan3A_50 : i32
      %scan3A_52 = arith.constant 1 : i32
      scf.for %scan3A_54 = %scan3A_49 to %scan3A_51 step %scan3A_52  : i32 {
        %mul3A_55 = arith.constant 16 : i32
        %mul3A_56 = arith.muli %scan3A_54, %mul3A_55 : i32
        %get3A_57 = arith.index_cast %scan3A_42 : i32 to index
        %get3A_58 = arith.index_cast %mul3A_56 : i32 to index
        %get3A_59 = tpu.vector_load %arg12[%get3A_57, %get3A_58] {strides = array<i32>} : memref<32x1024xf32, #tpu.memory_space<vmem>>, vector<16xf32>,
        %mul3A_60 = arith.mulf %get3A_59, %broadcast_in_dim3A : vector<16xf32>
        %mul3A_61 = arith.constant 16 : i32
        %mul3A_62 = arith.muli %scan3A_54, %mul3A_61 : i32
        %get3A_63 = arith.index_cast %scan3A_42 : i32 to index
        %get3A_64 = arith.index_cast %mul3A_62 : i32 to index
        %get3A_65 = tpu.vector_load %arg13[%get3A_63, %get3A_64] {strides = array<i32>} : memref<32x1024xf32, #tpu.memory_space<vmem>>, vector<16xf32>,
        %mul3A_66 = arith.mulf %get3A_65, %broadcast_in_dim3A_48 : vector<16xf32>
        %add3A_67 = arith.addf %mul3A_60, %mul3A_66 : vector<16xf32>
        %mul3A_68 = arith.constant 16 : i32
        %mul3A_69 = arith.muli %scan3A_54, %mul3A_68 : i32
        %swap3A = arith.index_cast %scan3A_42 : i32 to index
        %swap3A_70 = arith.index_cast %mul3A_69 : i32 to index
        %swap3A_71 = tpu.vector_load %arg12[%swap3A, %swap3A_70] {strides = array<i32>} : memref<32x1024xf32, #tpu.memory_space<vmem>>, vector<16xf32>,
        tpu.vector_store %arg12[%swap3A, %swap3A_70], %add3A_67 {strides = array<i32>} : memref<32x1024xf32, #tpu.memory_space<vmem>>, vector<16xf32>,
      }
      %scan3A_53 = arith.constant 64 : i32
    }
    %scan3A_41 = arith.constant 32 : i32
    "tpu.region"() ({
      %run_scoped3A = tpu.sem_alloc : memref<!tpu.dma_semaphore, #tpu.memory_space<semaphore_mem>>
      %dma_start3A_42 = arith.constant 0 : i32
      %dma_start3A_43 = tpu.memref_slice %arg7[%add3A_23, %dma_start3A_42] : memref<2048x1024xf32, #tpu.memory_space<hbm>> -> memref<32x1024xf32, #tpu.memory_space<hbm>>
      %dma_start3A_44 = arith.constant 0 : i32
      %dma_start3A_45 = tpu.memref_slice %arg7[%add3A_23, %dma_start3A_44] : memref<2048x1024xf32, #tpu.memory_space<hbm>> -> memref<32x1024xf32, #tpu.memory_space<hbm>>
      tpu.enqueue_dma source(%arg12 : memref<32x1024xf32, #tpu.memory_space<vmem>>) target(%dma_start3A_45 : memref<32x1024xf32, #tpu.memory_space<hbm>>) target_semaphore(%run_scoped3A : memref<!tpu.dma_semaphore, #tpu.memory_space<semaphore_mem>>)
      %dma_wait3A_46 = arith.constant 0 : i32
      %dma_wait3A_47 = tpu.memref_slice %arg7[%add3A_23, %dma_wait3A_46] : memref<2048x1024xf32, #tpu.memory_space<hbm>> -> memref<32x1024xf32, #tpu.memory_space<hbm>>
      %dma_wait3A_48 = arith.constant 0 : i32
      %dma_wait3A_49 = tpu.memref_slice %arg7[%add3A_23, %dma_wait3A_48] : memref<2048x1024xf32, #tpu.memory_space<hbm>> -> memref<32x1024xf32, #tpu.memory_space<hbm>>
      tpu.wait_dma2 semaphore(%run_scoped3A : memref<!tpu.dma_semaphore, #tpu.memory_space<semaphore_mem>>) src(%arg12 : memref<32x1024xf32, #tpu.memory_space<vmem>>) dst(%dma_wait3A_49 : memref<32x1024xf32, #tpu.memory_space<hbm>>)
      tpu.yield
    }) : () -> ()
    return
  }
}

#map = affine_map<(d0, d1) -> (0)>
#map1 = affine_map<(d0, d1) -> (0, 0)>
module attributes {stable_mosaic.version = 14 : i64} {
  func.func @_dispatch_body(%arg0: i32, %arg1: i32, %arg2: memref<2048xi32, #tpu.memory_space<hbm>>, %arg3: memref<2048xi32, #tpu.memory_space<hbm>>, %arg4: memref<64xi32, #tpu.memory_space<hbm>>, %arg5: memref<2048x1024xf32, #tpu.memory_space<hbm>>, %arg6: memref<16384x1024xf32, #tpu.memory_space<hbm>>, %arg7: memref<2048xi32, #tpu.memory_space<vmem>>, %arg8: memref<2048xi32, #tpu.memory_space<vmem>>, %arg9: memref<528xi32, #tpu.memory_space<vmem>>, %arg10: memref<80xi32, #tpu.memory_space<vmem>>, %arg11: memref<32x1024xf32, #tpu.memory_space<vmem>>, %arg12: memref<32x1024xf32, #tpu.memory_space<vmem>>, %arg13: memref<!tpu.dma_semaphore, #tpu.memory_space<semaphore_mem>>, %arg14: memref<!tpu.dma_semaphore, #tpu.memory_space<semaphore_mem>>, %arg15: memref<!tpu.dma_semaphore, #tpu.memory_space<semaphore_mem>>, %arg16: memref<!tpu.dma_semaphore, #tpu.memory_space<semaphore_mem>>) attributes {dimension_semantics = [#tpu.dimension_semantics<core_parallel>, #tpu.dimension_semantics<subcore_parallel>], iteration_bounds = array<i64: 2, 16>, scalar_prefetch = 0 : i64, scratch_operands = 10 : i64, tpu.core_type = #tpu.core_type<sc_vector_subcore>, window_params = [{transform_indices = #map}, {transform_indices = #map}, {transform_indices = #map}, {transform_indices = #map1}, {transform_indices = #map1}]} {
    %mul3A = arith.constant 2 : i32
    %mul3A_0 = arith.muli %arg1, %mul3A : i32
    %add3A = arith.addi %mul3A_0, %arg0 : i32
    "tpu.region"() ({
      %run_scoped3A = tpu.sem_alloc : memref<!tpu.dma_semaphore, #tpu.memory_space<semaphore_mem>>
      tpu.enqueue_dma source(%arg2 : memref<2048xi32, #tpu.memory_space<hbm>>) target(%arg7 : memref<2048xi32, #tpu.memory_space<vmem>>) target_semaphore(%run_scoped3A : memref<!tpu.dma_semaphore, #tpu.memory_space<semaphore_mem>>)
      tpu.wait_dma2 semaphore(%run_scoped3A : memref<!tpu.dma_semaphore, #tpu.memory_space<semaphore_mem>>) src(%arg2 : memref<2048xi32, #tpu.memory_space<hbm>>) dst(%arg7 : memref<2048xi32, #tpu.memory_space<vmem>>)
      tpu.yield
    }) : () -> ()
    "tpu.region"() ({
      %run_scoped3A = tpu.sem_alloc : memref<!tpu.dma_semaphore, #tpu.memory_space<semaphore_mem>>
      tpu.enqueue_dma source(%arg3 : memref<2048xi32, #tpu.memory_space<hbm>>) target(%arg8 : memref<2048xi32, #tpu.memory_space<vmem>>) target_semaphore(%run_scoped3A : memref<!tpu.dma_semaphore, #tpu.memory_space<semaphore_mem>>)
      tpu.wait_dma2 semaphore(%run_scoped3A : memref<!tpu.dma_semaphore, #tpu.memory_space<semaphore_mem>>) src(%arg3 : memref<2048xi32, #tpu.memory_space<hbm>>) dst(%arg8 : memref<2048xi32, #tpu.memory_space<vmem>>)
      tpu.yield
    }) : () -> ()
    "tpu.region"() ({
      %run_scoped3A = tpu.sem_alloc : memref<!tpu.dma_semaphore, #tpu.memory_space<semaphore_mem>>
      %dma_start3A = arith.constant 0 : i32
      %dma_start3A_102 = tpu.memref_slice %arg10[%dma_start3A] : memref<80xi32, #tpu.memory_space<vmem>> -> memref<64xi32, #tpu.memory_space<vmem>>
      %dma_start3A_103 = arith.constant 0 : i32
      %dma_start3A_104 = tpu.memref_slice %arg10[%dma_start3A_103] : memref<80xi32, #tpu.memory_space<vmem>> -> memref<64xi32, #tpu.memory_space<vmem>>
      tpu.enqueue_dma source(%arg4 : memref<64xi32, #tpu.memory_space<hbm>>) target(%dma_start3A_104 : memref<64xi32, #tpu.memory_space<vmem>>) target_semaphore(%run_scoped3A : memref<!tpu.dma_semaphore, #tpu.memory_space<semaphore_mem>>)
      %dma_wait3A = arith.constant 0 : i32
      %dma_wait3A_105 = tpu.memref_slice %arg10[%dma_wait3A] : memref<80xi32, #tpu.memory_space<vmem>> -> memref<64xi32, #tpu.memory_space<vmem>>
      %dma_wait3A_106 = arith.constant 0 : i32
      %dma_wait3A_107 = tpu.memref_slice %arg10[%dma_wait3A_106] : memref<80xi32, #tpu.memory_space<vmem>> -> memref<64xi32, #tpu.memory_space<vmem>>
      tpu.wait_dma2 semaphore(%run_scoped3A : memref<!tpu.dma_semaphore, #tpu.memory_space<semaphore_mem>>) src(%arg4 : memref<64xi32, #tpu.memory_space<hbm>>) dst(%dma_wait3A_107 : memref<64xi32, #tpu.memory_space<vmem>>)
      tpu.yield
    }) : () -> ()
    %broadcast_in_dim3A = arith.constant 0 : i32
    %broadcast_in_dim3A_1 = vector.broadcast %broadcast_in_dim3A : i32 to vector<16xi32>
    %scan3A = arith.constant 0 : i32
    %scan3A_2 = arith.constant 0 : i32
    %scan3A_3 = arith.constant 32 : i32
    %scan3A_4 = arith.addi %scan3A_2, %scan3A_3 : i32
    %scan3A_5 = arith.constant 1 : i32
    scf.for %scan3A_102 = %scan3A_2 to %scan3A_4 step %scan3A_5  : i32 {
      %mul3A_103 = arith.constant 16 : i32
      %mul3A_104 = arith.muli %scan3A_102, %mul3A_103 : i32
      %swap3A = arith.index_cast %mul3A_104 : i32 to index
      %swap3A_105 = tpu.vector_load %arg9[%swap3A] {strides = array<i32>} : memref<528xi32, #tpu.memory_space<vmem>>, vector<16xi32>,
      tpu.vector_store %arg9[%swap3A], %broadcast_in_dim3A_1 {strides = array<i32>} : memref<528xi32, #tpu.memory_space<vmem>>, vector<16xi32>,
    }
    %scan3A_6 = arith.constant 32 : i32
    %iota3A = tpu.iota {dimensions = array<i32: 0>} : vector<16xi32>
    %mul3A_7 = arith.constant 512 : i32
    %mul3A_8 = arith.muli %add3A, %mul3A_7 : i32
    %broadcast_in_dim3A_9 = vector.broadcast %mul3A_8 : i32 to vector<16xi32>
    %broadcast_in_dim3A_10 = arith.constant 512 : i32
    %broadcast_in_dim3A_11 = vector.broadcast %broadcast_in_dim3A_10 : i32 to vector<16xi32>
    %add3A_12 = arith.addi %broadcast_in_dim3A_11, %iota3A : vector<16xi32>
    %scan3A_13 = arith.constant 0 : i32
    %scan3A_14 = arith.constant 0 : i32
    %scan3A_15 = arith.constant 128 : i32
    %scan3A_16 = arith.addi %scan3A_14, %scan3A_15 : i32
    %scan3A_17 = arith.constant 1 : i32
    scf.for %scan3A_102 = %scan3A_14 to %scan3A_16 step %scan3A_17  : i32 {
      %mul3A_103 = arith.constant 16 : i32
      %mul3A_104 = arith.muli %scan3A_102, %mul3A_103 : i32
      %broadcast_in_dim3A_105 = vector.broadcast %mul3A_104 : i32 to vector<16xi32>
      %add3A_106 = arith.addi %iota3A, %broadcast_in_dim3A_105 : vector<16xi32>
      %mul3A_107 = arith.constant 16 : i32
      %mul3A_108 = arith.muli %scan3A_102, %mul3A_107 : i32
      %get3A_109 = arith.index_cast %mul3A_108 : i32 to index
      %get3A_110 = tpu.vector_load %arg7[%get3A_109] {strides = array<i32>} : memref<2048xi32, #tpu.memory_space<vmem>>, vector<16xi32>,
      %sub3A_111 = arith.subi %get3A_110, %broadcast_in_dim3A_9 : vector<16xi32>
      %ge3A = arith.cmpi sge, %sub3A_111, %broadcast_in_dim3A_1 : vector<16xi32>
      %lt3A = arith.cmpi slt, %sub3A_111, %broadcast_in_dim3A_11 : vector<16xi32>
      %and3A_112 = arith.andi %ge3A, %lt3A : vector<16xi1>
      %select_n3A_113 = arith.select %and3A_112, %sub3A_111, %add3A_12 : vector<16xi1>, vector<16xi32>
      tpu.vector_store_idx %arg9[%select_n3A_113], %add3A_106 : memref<528xi32, #tpu.memory_space<vmem>>[vector<16xi32>], vector<16xi32>,
      %mul3A_114 = arith.constant 16 : i32
      %mul3A_115 = arith.muli %scan3A_102, %mul3A_114 : i32
      %get3A_116 = arith.index_cast %mul3A_115 : i32 to index
      %get3A_117 = tpu.vector_load %arg8[%get3A_116] {strides = array<i32>} : memref<2048xi32, #tpu.memory_space<vmem>>, vector<16xi32>,
      %sub3A_118 = arith.subi %get3A_117, %broadcast_in_dim3A_9 : vector<16xi32>
      %ge3A_119 = arith.cmpi sge, %sub3A_118, %broadcast_in_dim3A_1 : vector<16xi32>
      %lt3A_120 = arith.cmpi slt, %sub3A_118, %broadcast_in_dim3A_11 : vector<16xi32>
      %and3A_121 = arith.andi %ge3A_119, %lt3A_120 : vector<16xi1>
      %select_n3A_122 = arith.select %and3A_121, %sub3A_118, %add3A_12 : vector<16xi1>, vector<16xi32>
      tpu.vector_store_idx %arg9[%select_n3A_122], %add3A_106 : memref<528xi32, #tpu.memory_space<vmem>>[vector<16xi32>], vector<16xi32>,
    }
    %scan3A_18 = arith.constant 128 : i32
    %mul3A_19 = arith.constant 2 : i32
    %mul3A_20 = arith.muli %mul3A_19, %add3A : i32
    %get3A = arith.index_cast %mul3A_20 : i32 to index
    %get3A_21 = tpu.vector_load %arg10[%get3A] {strides = array<i32>} : memref<80xi32, #tpu.memory_space<vmem>>, vector<16xi32>,
    %slice3A = vector.extract_strided_slice %get3A_21 {offsets = [0], sizes = [1], strides = [1]} : vector<16xi32> to vector<1xi32>
    %squeeze3A = vector.extract %slice3A[0] : i32 from vector<1xi32>
    %min3A = arith.constant 256 : i32
    %min3A_22 = arith.minsi %squeeze3A, %min3A : i32
    %add3A_23 = arith.constant 31 : i32
    %add3A_24 = arith.addi %min3A_22, %add3A_23 : i32
    %jit3A = arith.constant 32 : i32
    %div3A = arith.divsi %add3A_24, %jit3A : i32
    %sign3A = arith.constant 0 : i32
    %sign3A_25 = arith.cmpi sgt, %add3A_24, %sign3A : i32
    %sign3A_26 = arith.extui %sign3A_25 : i1 to i32
    %sign3A_27 = arith.constant 0 : i32
    %sign3A_28 = arith.cmpi slt, %add3A_24, %sign3A_27 : i32
    %sign3A_29 = arith.extui %sign3A_28 : i1 to i32
    %sign3A_30 = arith.subi %sign3A_26, %sign3A_29 : i32
    %sign3A_31 = arith.constant 0 : i32
    %sign3A_32 = arith.cmpi sgt, %jit3A, %sign3A_31 : i32
    %sign3A_33 = arith.extui %sign3A_32 : i1 to i32
    %sign3A_34 = arith.constant 0 : i32
    %sign3A_35 = arith.cmpi slt, %jit3A, %sign3A_34 : i32
    %sign3A_36 = arith.extui %sign3A_35 : i1 to i32
    %sign3A_37 = arith.subi %sign3A_33, %sign3A_36 : i32
    %ne3A = arith.cmpi ne, %sign3A_30, %sign3A_37 : i32
    %rem3A = arith.remsi %add3A_24, %jit3A : i32
    %ne3A_38 = arith.constant 0 : i32
    %ne3A_39 = arith.cmpi ne, %rem3A, %ne3A_38 : i32
    %and3A = arith.andi %ne3A, %ne3A_39 : i1
    %sub3A = arith.constant 1 : i32
    %sub3A_40 = arith.subi %div3A, %sub3A : i32
    %select_n3A = arith.select %and3A, %sub3A_40, %div3A : i32
    %mul3A_41 = arith.constant 2 : i32
    %mul3A_42 = arith.muli %add3A, %mul3A_41 : i32
    %add3A_43 = arith.constant 0 : i32
    %add3A_44 = arith.addi %mul3A_42, %add3A_43 : i32
    %mul3A_45 = arith.constant 256 : i32
    %mul3A_46 = arith.muli %add3A_44, %mul3A_45 : i32
    %while3A = arith.constant 0 : i32
    %while3A_47 = arith.constant 0 : i32
    %while3A_48 = arith.subi %select_n3A, %while3A_47 : i32
    %while3A_49 = arith.addi %while3A_47, %while3A_48 : i32
    %while3A_50 = arith.constant 1 : i32
    %while3A_51 = arith.divsi %while3A_48, %while3A_50 : i32
    %while3A_52 = arith.muli %while3A_51, %while3A_50 : i32
    %while3A_53 = arith.addi %while3A_47, %while3A_52 : i32
    %while3A_54 = arith.constant 1 : i32
    scf.for %while3A_102 = %while3A_47 to %while3A_53 step %while3A_54  : i32 {
      %mul3A_103 = arith.constant 32 : i32
      %mul3A_104 = arith.muli %while3A_102, %mul3A_103 : i32
      %add3A_105 = arith.constant 0 : i32
      %add3A_106 = arith.addi %add3A_105, %mul3A_104 : i32
      %dma_start3A = tpu.memref_slice %arg9[%add3A_106] : memref<528xi32, #tpu.memory_space<vmem>> -> memref<32xi32, #tpu.memory_space<vmem>>
      %dma_start3A_107 = arith.constant 0 : i32
      %dma_start3A_108 = arith.constant 0 : i32
      %dma_start3A_109 = tpu.memref_slice %arg5[%dma_start3A_107, %dma_start3A_108] : memref<2048x1024xf32, #tpu.memory_space<hbm>> -> memref<2048x1024xf32, #tpu.memory_space<hbm>>
      tpu.enqueue_indirect_dma source(%dma_start3A_109 : memref<2048x1024xf32, #tpu.memory_space<hbm>>) target(%arg11 : memref<32x1024xf32, #tpu.memory_space<vmem>>) offsets(%dma_start3A : memref<32xi32, #tpu.memory_space<vmem>>) semaphore(%arg13 : memref<!tpu.dma_semaphore, #tpu.memory_space<semaphore_mem>>)
      %dma_wait3A = tpu.memref_slice %arg9[%add3A_106] : memref<528xi32, #tpu.memory_space<vmem>> -> memref<32xi32, #tpu.memory_space<vmem>>
      %dma_wait3A_110 = arith.constant 0 : i32
      %dma_wait3A_111 = arith.constant 0 : i32
      %dma_wait3A_112 = tpu.memref_slice %arg5[%dma_wait3A_110, %dma_wait3A_111] : memref<2048x1024xf32, #tpu.memory_space<hbm>> -> memref<2048x1024xf32, #tpu.memory_space<hbm>>
      tpu.wait_indirect_dma semaphore(%arg13 : memref<!tpu.dma_semaphore, #tpu.memory_space<semaphore_mem>>) src(%dma_wait3A_112 : memref<2048x1024xf32, #tpu.memory_space<hbm>>) dst(%arg11 : memref<32x1024xf32, #tpu.memory_space<vmem>>)
      %mul3A_113 = arith.constant 32 : i32
      %mul3A_114 = arith.muli %while3A_102, %mul3A_113 : i32
      %add3A_115 = arith.addi %mul3A_46, %mul3A_114 : i32
      "tpu.region"() ({
        %run_scoped3A = tpu.sem_alloc : memref<!tpu.dma_semaphore, #tpu.memory_space<semaphore_mem>>
        %dma_start3A_116 = arith.constant 0 : i32
        %dma_start3A_117 = tpu.memref_slice %arg6[%add3A_115, %dma_start3A_116] : memref<16384x1024xf32, #tpu.memory_space<hbm>> -> memref<32x1024xf32, #tpu.memory_space<hbm>>
        %dma_start3A_118 = arith.constant 0 : i32
        %dma_start3A_119 = tpu.memref_slice %arg6[%add3A_115, %dma_start3A_118] : memref<16384x1024xf32, #tpu.memory_space<hbm>> -> memref<32x1024xf32, #tpu.memory_space<hbm>>
        tpu.enqueue_dma source(%arg11 : memref<32x1024xf32, #tpu.memory_space<vmem>>) target(%dma_start3A_119 : memref<32x1024xf32, #tpu.memory_space<hbm>>) target_semaphore(%run_scoped3A : memref<!tpu.dma_semaphore, #tpu.memory_space<semaphore_mem>>)
        %dma_wait3A_120 = arith.constant 0 : i32
        %dma_wait3A_121 = tpu.memref_slice %arg6[%add3A_115, %dma_wait3A_120] : memref<16384x1024xf32, #tpu.memory_space<hbm>> -> memref<32x1024xf32, #tpu.memory_space<hbm>>
        %dma_wait3A_122 = arith.constant 0 : i32
        %dma_wait3A_123 = tpu.memref_slice %arg6[%add3A_115, %dma_wait3A_122] : memref<16384x1024xf32, #tpu.memory_space<hbm>> -> memref<32x1024xf32, #tpu.memory_space<hbm>>
        tpu.wait_dma2 semaphore(%run_scoped3A : memref<!tpu.dma_semaphore, #tpu.memory_space<semaphore_mem>>) src(%arg11 : memref<32x1024xf32, #tpu.memory_space<vmem>>) dst(%dma_wait3A_123 : memref<32x1024xf32, #tpu.memory_space<hbm>>)
        tpu.yield
      }) : () -> ()
    }
    %while3A_55 = arith.constant 1 : i32
    scf.for %while3A_102 = %while3A_53 to %while3A_49 step %while3A_55  : i32 {
      %mul3A_103 = arith.constant 32 : i32
      %mul3A_104 = arith.muli %while3A_102, %mul3A_103 : i32
      %add3A_105 = arith.constant 0 : i32
      %add3A_106 = arith.addi %add3A_105, %mul3A_104 : i32
      %dma_start3A = tpu.memref_slice %arg9[%add3A_106] : memref<528xi32, #tpu.memory_space<vmem>> -> memref<32xi32, #tpu.memory_space<vmem>>
      %dma_start3A_107 = arith.constant 0 : i32
      %dma_start3A_108 = arith.constant 0 : i32
      %dma_start3A_109 = tpu.memref_slice %arg5[%dma_start3A_107, %dma_start3A_108] : memref<2048x1024xf32, #tpu.memory_space<hbm>> -> memref<2048x1024xf32, #tpu.memory_space<hbm>>
      tpu.enqueue_indirect_dma source(%dma_start3A_109 : memref<2048x1024xf32, #tpu.memory_space<hbm>>) target(%arg11 : memref<32x1024xf32, #tpu.memory_space<vmem>>) offsets(%dma_start3A : memref<32xi32, #tpu.memory_space<vmem>>) semaphore(%arg13 : memref<!tpu.dma_semaphore, #tpu.memory_space<semaphore_mem>>)
      %dma_wait3A = tpu.memref_slice %arg9[%add3A_106] : memref<528xi32, #tpu.memory_space<vmem>> -> memref<32xi32, #tpu.memory_space<vmem>>
      %dma_wait3A_110 = arith.constant 0 : i32
      %dma_wait3A_111 = arith.constant 0 : i32
      %dma_wait3A_112 = tpu.memref_slice %arg5[%dma_wait3A_110, %dma_wait3A_111] : memref<2048x1024xf32, #tpu.memory_space<hbm>> -> memref<2048x1024xf32, #tpu.memory_space<hbm>>
      tpu.wait_indirect_dma semaphore(%arg13 : memref<!tpu.dma_semaphore, #tpu.memory_space<semaphore_mem>>) src(%dma_wait3A_112 : memref<2048x1024xf32, #tpu.memory_space<hbm>>) dst(%arg11 : memref<32x1024xf32, #tpu.memory_space<vmem>>)
      %mul3A_113 = arith.constant 32 : i32
      %mul3A_114 = arith.muli %while3A_102, %mul3A_113 : i32
      %add3A_115 = arith.addi %mul3A_46, %mul3A_114 : i32
      "tpu.region"() ({
        %run_scoped3A = tpu.sem_alloc : memref<!tpu.dma_semaphore, #tpu.memory_space<semaphore_mem>>
        %dma_start3A_116 = arith.constant 0 : i32
        %dma_start3A_117 = tpu.memref_slice %arg6[%add3A_115, %dma_start3A_116] : memref<16384x1024xf32, #tpu.memory_space<hbm>> -> memref<32x1024xf32, #tpu.memory_space<hbm>>
        %dma_start3A_118 = arith.constant 0 : i32
        %dma_start3A_119 = tpu.memref_slice %arg6[%add3A_115, %dma_start3A_118] : memref<16384x1024xf32, #tpu.memory_space<hbm>> -> memref<32x1024xf32, #tpu.memory_space<hbm>>
        tpu.enqueue_dma source(%arg11 : memref<32x1024xf32, #tpu.memory_space<vmem>>) target(%dma_start3A_119 : memref<32x1024xf32, #tpu.memory_space<hbm>>) target_semaphore(%run_scoped3A : memref<!tpu.dma_semaphore, #tpu.memory_space<semaphore_mem>>)
        %dma_wait3A_120 = arith.constant 0 : i32
        %dma_wait3A_121 = tpu.memref_slice %arg6[%add3A_115, %dma_wait3A_120] : memref<16384x1024xf32, #tpu.memory_space<hbm>> -> memref<32x1024xf32, #tpu.memory_space<hbm>>
        %dma_wait3A_122 = arith.constant 0 : i32
        %dma_wait3A_123 = tpu.memref_slice %arg6[%add3A_115, %dma_wait3A_122] : memref<16384x1024xf32, #tpu.memory_space<hbm>> -> memref<32x1024xf32, #tpu.memory_space<hbm>>
        tpu.wait_dma2 semaphore(%run_scoped3A : memref<!tpu.dma_semaphore, #tpu.memory_space<semaphore_mem>>) src(%arg11 : memref<32x1024xf32, #tpu.memory_space<vmem>>) dst(%dma_wait3A_123 : memref<32x1024xf32, #tpu.memory_space<hbm>>)
        tpu.yield
      }) : () -> ()
    }
    %slice3A_56 = vector.extract_strided_slice %get3A_21 {offsets = [1], sizes = [1], strides = [1]} : vector<16xi32> to vector<1xi32>
    %squeeze3A_57 = vector.extract %slice3A_56[0] : i32 from vector<1xi32>
    %min3A_58 = arith.constant 256 : i32
    %min3A_59 = arith.minsi %squeeze3A_57, %min3A_58 : i32
    %add3A_60 = arith.constant 31 : i32
    %add3A_61 = arith.addi %min3A_59, %add3A_60 : i32
    %jit3A_62 = arith.constant 32 : i32
    %div3A_63 = arith.divsi %add3A_61, %jit3A_62 : i32
    %sign3A_64 = arith.constant 0 : i32
    %sign3A_65 = arith.cmpi sgt, %add3A_61, %sign3A_64 : i32
    %sign3A_66 = arith.extui %sign3A_65 : i1 to i32
    %sign3A_67 = arith.constant 0 : i32
    %sign3A_68 = arith.cmpi slt, %add3A_61, %sign3A_67 : i32
    %sign3A_69 = arith.extui %sign3A_68 : i1 to i32
    %sign3A_70 = arith.subi %sign3A_66, %sign3A_69 : i32
    %sign3A_71 = arith.constant 0 : i32
    %sign3A_72 = arith.cmpi sgt, %jit3A_62, %sign3A_71 : i32
    %sign3A_73 = arith.extui %sign3A_72 : i1 to i32
    %sign3A_74 = arith.constant 0 : i32
    %sign3A_75 = arith.cmpi slt, %jit3A_62, %sign3A_74 : i32
    %sign3A_76 = arith.extui %sign3A_75 : i1 to i32
    %sign3A_77 = arith.subi %sign3A_73, %sign3A_76 : i32
    %ne3A_78 = arith.cmpi ne, %sign3A_70, %sign3A_77 : i32
    %rem3A_79 = arith.remsi %add3A_61, %jit3A_62 : i32
    %ne3A_80 = arith.constant 0 : i32
    %ne3A_81 = arith.cmpi ne, %rem3A_79, %ne3A_80 : i32
    %and3A_82 = arith.andi %ne3A_78, %ne3A_81 : i1
    %sub3A_83 = arith.constant 1 : i32
    %sub3A_84 = arith.subi %div3A_63, %sub3A_83 : i32
    %select_n3A_85 = arith.select %and3A_82, %sub3A_84, %div3A_63 : i32
    %mul3A_86 = arith.constant 2 : i32
    %mul3A_87 = arith.muli %add3A, %mul3A_86 : i32
    %add3A_88 = arith.constant 1 : i32
    %add3A_89 = arith.addi %mul3A_87, %add3A_88 : i32
    %mul3A_90 = arith.constant 256 : i32
    %mul3A_91 = arith.muli %add3A_89, %mul3A_90 : i32
    %while3A_92 = arith.constant 0 : i32
    %while3A_93 = arith.constant 0 : i32
    %while3A_94 = arith.subi %select_n3A_85, %while3A_93 : i32
    %while3A_95 = arith.addi %while3A_93, %while3A_94 : i32
    %while3A_96 = arith.constant 1 : i32
    %while3A_97 = arith.divsi %while3A_94, %while3A_96 : i32
    %while3A_98 = arith.muli %while3A_97, %while3A_96 : i32
    %while3A_99 = arith.addi %while3A_93, %while3A_98 : i32
    %while3A_100 = arith.constant 1 : i32
    scf.for %while3A_102 = %while3A_93 to %while3A_99 step %while3A_100  : i32 {
      %mul3A_103 = arith.constant 32 : i32
      %mul3A_104 = arith.muli %while3A_102, %mul3A_103 : i32
      %add3A_105 = arith.constant 256 : i32
      %add3A_106 = arith.addi %add3A_105, %mul3A_104 : i32
      %dma_start3A = tpu.memref_slice %arg9[%add3A_106] : memref<528xi32, #tpu.memory_space<vmem>> -> memref<32xi32, #tpu.memory_space<vmem>>
      %dma_start3A_107 = arith.constant 0 : i32
      %dma_start3A_108 = arith.constant 0 : i32
      %dma_start3A_109 = tpu.memref_slice %arg5[%dma_start3A_107, %dma_start3A_108] : memref<2048x1024xf32, #tpu.memory_space<hbm>> -> memref<2048x1024xf32, #tpu.memory_space<hbm>>
      tpu.enqueue_indirect_dma source(%dma_start3A_109 : memref<2048x1024xf32, #tpu.memory_space<hbm>>) target(%arg11 : memref<32x1024xf32, #tpu.memory_space<vmem>>) offsets(%dma_start3A : memref<32xi32, #tpu.memory_space<vmem>>) semaphore(%arg13 : memref<!tpu.dma_semaphore, #tpu.memory_space<semaphore_mem>>)
      %dma_wait3A = tpu.memref_slice %arg9[%add3A_106] : memref<528xi32, #tpu.memory_space<vmem>> -> memref<32xi32, #tpu.memory_space<vmem>>
      %dma_wait3A_110 = arith.constant 0 : i32
      %dma_wait3A_111 = arith.constant 0 : i32
      %dma_wait3A_112 = tpu.memref_slice %arg5[%dma_wait3A_110, %dma_wait3A_111] : memref<2048x1024xf32, #tpu.memory_space<hbm>> -> memref<2048x1024xf32, #tpu.memory_space<hbm>>
      tpu.wait_indirect_dma semaphore(%arg13 : memref<!tpu.dma_semaphore, #tpu.memory_space<semaphore_mem>>) src(%dma_wait3A_112 : memref<2048x1024xf32, #tpu.memory_space<hbm>>) dst(%arg11 : memref<32x1024xf32, #tpu.memory_space<vmem>>)
      %mul3A_113 = arith.constant 32 : i32
      %mul3A_114 = arith.muli %while3A_102, %mul3A_113 : i32
      %add3A_115 = arith.addi %mul3A_91, %mul3A_114 : i32
      "tpu.region"() ({
        %run_scoped3A = tpu.sem_alloc : memref<!tpu.dma_semaphore, #tpu.memory_space<semaphore_mem>>
        %dma_start3A_116 = arith.constant 0 : i32
        %dma_start3A_117 = tpu.memref_slice %arg6[%add3A_115, %dma_start3A_116] : memref<16384x1024xf32, #tpu.memory_space<hbm>> -> memref<32x1024xf32, #tpu.memory_space<hbm>>
        %dma_start3A_118 = arith.constant 0 : i32
        %dma_start3A_119 = tpu.memref_slice %arg6[%add3A_115, %dma_start3A_118] : memref<16384x1024xf32, #tpu.memory_space<hbm>> -> memref<32x1024xf32, #tpu.memory_space<hbm>>
        tpu.enqueue_dma source(%arg11 : memref<32x1024xf32, #tpu.memory_space<vmem>>) target(%dma_start3A_119 : memref<32x1024xf32, #tpu.memory_space<hbm>>) target_semaphore(%run_scoped3A : memref<!tpu.dma_semaphore, #tpu.memory_space<semaphore_mem>>)
        %dma_wait3A_120 = arith.constant 0 : i32
        %dma_wait3A_121 = tpu.memref_slice %arg6[%add3A_115, %dma_wait3A_120] : memref<16384x1024xf32, #tpu.memory_space<hbm>> -> memref<32x1024xf32, #tpu.memory_space<hbm>>
        %dma_wait3A_122 = arith.constant 0 : i32
        %dma_wait3A_123 = tpu.memref_slice %arg6[%add3A_115, %dma_wait3A_122] : memref<16384x1024xf32, #tpu.memory_space<hbm>> -> memref<32x1024xf32, #tpu.memory_space<hbm>>
        tpu.wait_dma2 semaphore(%run_scoped3A : memref<!tpu.dma_semaphore, #tpu.memory_space<semaphore_mem>>) src(%arg11 : memref<32x1024xf32, #tpu.memory_space<vmem>>) dst(%dma_wait3A_123 : memref<32x1024xf32, #tpu.memory_space<hbm>>)
        tpu.yield
      }) : () -> ()
    }
    %while3A_101 = arith.constant 1 : i32
    scf.for %while3A_102 = %while3A_99 to %while3A_95 step %while3A_101  : i32 {
      %mul3A_103 = arith.constant 32 : i32
      %mul3A_104 = arith.muli %while3A_102, %mul3A_103 : i32
      %add3A_105 = arith.constant 256 : i32
      %add3A_106 = arith.addi %add3A_105, %mul3A_104 : i32
      %dma_start3A = tpu.memref_slice %arg9[%add3A_106] : memref<528xi32, #tpu.memory_space<vmem>> -> memref<32xi32, #tpu.memory_space<vmem>>
      %dma_start3A_107 = arith.constant 0 : i32
      %dma_start3A_108 = arith.constant 0 : i32
      %dma_start3A_109 = tpu.memref_slice %arg5[%dma_start3A_107, %dma_start3A_108] : memref<2048x1024xf32, #tpu.memory_space<hbm>> -> memref<2048x1024xf32, #tpu.memory_space<hbm>>
      tpu.enqueue_indirect_dma source(%dma_start3A_109 : memref<2048x1024xf32, #tpu.memory_space<hbm>>) target(%arg11 : memref<32x1024xf32, #tpu.memory_space<vmem>>) offsets(%dma_start3A : memref<32xi32, #tpu.memory_space<vmem>>) semaphore(%arg13 : memref<!tpu.dma_semaphore, #tpu.memory_space<semaphore_mem>>)
      %dma_wait3A = tpu.memref_slice %arg9[%add3A_106] : memref<528xi32, #tpu.memory_space<vmem>> -> memref<32xi32, #tpu.memory_space<vmem>>
      %dma_wait3A_110 = arith.constant 0 : i32
      %dma_wait3A_111 = arith.constant 0 : i32
      %dma_wait3A_112 = tpu.memref_slice %arg5[%dma_wait3A_110, %dma_wait3A_111] : memref<2048x1024xf32, #tpu.memory_space<hbm>> -> memref<2048x1024xf32, #tpu.memory_space<hbm>>
      tpu.wait_indirect_dma semaphore(%arg13 : memref<!tpu.dma_semaphore, #tpu.memory_space<semaphore_mem>>) src(%dma_wait3A_112 : memref<2048x1024xf32, #tpu.memory_space<hbm>>) dst(%arg11 : memref<32x1024xf32, #tpu.memory_space<vmem>>)
      %mul3A_113 = arith.constant 32 : i32
      %mul3A_114 = arith.muli %while3A_102, %mul3A_113 : i32
      %add3A_115 = arith.addi %mul3A_91, %mul3A_114 : i32
      "tpu.region"() ({
        %run_scoped3A = tpu.sem_alloc : memref<!tpu.dma_semaphore, #tpu.memory_space<semaphore_mem>>
        %dma_start3A_116 = arith.constant 0 : i32
        %dma_start3A_117 = tpu.memref_slice %arg6[%add3A_115, %dma_start3A_116] : memref<16384x1024xf32, #tpu.memory_space<hbm>> -> memref<32x1024xf32, #tpu.memory_space<hbm>>
        %dma_start3A_118 = arith.constant 0 : i32
        %dma_start3A_119 = tpu.memref_slice %arg6[%add3A_115, %dma_start3A_118] : memref<16384x1024xf32, #tpu.memory_space<hbm>> -> memref<32x1024xf32, #tpu.memory_space<hbm>>
        tpu.enqueue_dma source(%arg11 : memref<32x1024xf32, #tpu.memory_space<vmem>>) target(%dma_start3A_119 : memref<32x1024xf32, #tpu.memory_space<hbm>>) target_semaphore(%run_scoped3A : memref<!tpu.dma_semaphore, #tpu.memory_space<semaphore_mem>>)
        %dma_wait3A_120 = arith.constant 0 : i32
        %dma_wait3A_121 = tpu.memref_slice %arg6[%add3A_115, %dma_wait3A_120] : memref<16384x1024xf32, #tpu.memory_space<hbm>> -> memref<32x1024xf32, #tpu.memory_space<hbm>>
        %dma_wait3A_122 = arith.constant 0 : i32
        %dma_wait3A_123 = tpu.memref_slice %arg6[%add3A_115, %dma_wait3A_122] : memref<16384x1024xf32, #tpu.memory_space<hbm>> -> memref<32x1024xf32, #tpu.memory_space<hbm>>
        tpu.wait_dma2 semaphore(%run_scoped3A : memref<!tpu.dma_semaphore, #tpu.memory_space<semaphore_mem>>) src(%arg11 : memref<32x1024xf32, #tpu.memory_space<vmem>>) dst(%dma_wait3A_123 : memref<32x1024xf32, #tpu.memory_space<hbm>>)
        tpu.yield
      }) : () -> ()
    }
    return
  }
}

module attributes {stable_mosaic.version = 14 : i64} {
  func.func @_router_body(%arg0: memref<2048x1024xf32, #tpu.memory_space<vmem>>, %arg1: memref<1024x64xf32, #tpu.memory_space<vmem>>, %arg2: memref<1x64xf32, #tpu.memory_space<vmem>>, %arg3: memref<2048x1xi32, #tpu.memory_space<vmem>>, %arg4: memref<2048x1xi32, #tpu.memory_space<vmem>>, %arg5: memref<2048x1xi32, #tpu.memory_space<vmem>>, %arg6: memref<2048x1xi32, #tpu.memory_space<vmem>>, %arg7: memref<2048x1xf32, #tpu.memory_space<vmem>>, %arg8: memref<2048x1xf32, #tpu.memory_space<vmem>>, %arg9: memref<1x64xi32, #tpu.memory_space<vmem>>) attributes {dimension_semantics = [], scalar_prefetch = 0 : i64, scratch_operands = 0 : i64, tpu.core_type = #tpu.core_type<tc>} {
    %get3A = arith.constant 0 : index
    %get3A_0 = arith.constant 0 : index
    %get3A_1 = vector.load %arg0[%get3A, %get3A_0] : memref<2048x1024xf32, #tpu.memory_space<vmem>>, vector<2048x1024xf32>
    %get3A_2 = arith.constant 0 : index
    %get3A_3 = arith.constant 0 : index
    %get3A_4 = vector.load %arg1[%get3A_2, %get3A_3] : memref<1024x64xf32, #tpu.memory_space<vmem>>, vector<1024x64xf32>
    %dot_general3A = arith.constant dense<0.000000e+00> : vector<2048x64xf32>
    %dot_general3A_5 = tpu.matmul %get3A_1, %get3A_4, %dot_general3A {dimension_numbers = #tpu.dot_dimension_numbers<[1], [0], [0], [1], [0, 0, 1, 1], [], []>, transpose_lhs_hint = false} : vector<2048x1024xf32>, vector<1024x64xf32>, vector<2048x64xf32> -> vector<2048x64xf32>
    %logistic3A = arith.negf %dot_general3A_5 : vector<2048x64xf32>
    %logistic3A_6 = math.exp %logistic3A : vector<2048x64xf32>
    %logistic3A_7 = arith.constant 1.000000e+00 : f32
    %logistic3A_8 = vector.broadcast %logistic3A_7 : f32 to vector<2048x64xf32>
    %logistic3A_9 = arith.addf %logistic3A_8, %logistic3A_6 : vector<2048x64xf32>
    %logistic3A_10 = arith.divf %logistic3A_8, %logistic3A_9 : vector<2048x64xf32>
    %get3A_11 = arith.constant 0 : index
    %get3A_12 = arith.constant 0 : index
    %get3A_13 = vector.load %arg2[%get3A_11, %get3A_12] : memref<1x64xf32, #tpu.memory_space<vmem>>, vector<1x64xf32>
    %add3A = vector.broadcast %get3A_13 : vector<1x64xf32> to vector<2048x64xf32>
    %add3A_14 = arith.addf %logistic3A_10, %add3A : vector<2048x64xf32>
    %iota3A = tpu.iota {dimensions = array<i32: 1>} : vector<2048x64xi32>
    %reduce_max3A = arith.constant dense<0xFF800000> : vector<2048xf32>
    %reduce_max3A_15 = vector.multi_reduction <maximumf>, %add3A_14, %reduce_max3A [1] : vector<2048x64xf32> to vector<2048xf32>
    %broadcast_in_dim3A = vector.shape_cast %reduce_max3A_15 : vector<2048xf32> to vector<2048x1xf32>
    %eq3A = vector.broadcast %broadcast_in_dim3A : vector<2048x1xf32> to vector<2048x64xf32>
    %eq3A_16 = arith.cmpf oeq, %add3A_14, %eq3A : vector<2048x64xf32>
    %jit3A = arith.constant 64 : i32
    %broadcast_in_dim3A_17 = vector.broadcast %jit3A : i32 to vector<2048x64xi32>
    %select_n3A = arith.select %eq3A_16, %iota3A, %broadcast_in_dim3A_17 : vector<2048x64xi1>, vector<2048x64xi32>
    %reduce_min3A = arith.constant dense<2147483647> : vector<2048xi32>
    %reduce_min3A_18 = vector.multi_reduction <minsi>, %select_n3A, %reduce_min3A [1] : vector<2048x64xi32> to vector<2048xi32>
    %broadcast_in_dim3A_19 = vector.shape_cast %reduce_min3A_18 : vector<2048xi32> to vector<2048x1xi32>
    %eq3A_20 = vector.broadcast %broadcast_in_dim3A_19 : vector<2048x1xi32> to vector<2048x64xi32>
    %eq3A_21 = arith.cmpi eq, %iota3A, %eq3A_20 : vector<2048x64xi32>
    %jit3A_22 = arith.constant 0xFF800000 : f32
    %broadcast_in_dim3A_23 = vector.broadcast %jit3A_22 : f32 to vector<2048x64xf32>
    %select_n3A_24 = arith.select %eq3A_21, %logistic3A_10, %broadcast_in_dim3A_23 : vector<2048x64xi1>, vector<2048x64xf32>
    %reduce_max3A_25 = arith.constant dense<0xFF800000> : vector<2048xf32>
    %reduce_max3A_26 = vector.multi_reduction <maximumf>, %select_n3A_24, %reduce_max3A_25 [1] : vector<2048x64xf32> to vector<2048xf32>
    %broadcast_in_dim3A_27 = vector.shape_cast %reduce_max3A_26 : vector<2048xf32> to vector<2048x1xf32>
    %jit3A_28 = arith.constant 0xFF800000 : f32
    %broadcast_in_dim3A_29 = vector.broadcast %jit3A_28 : f32 to vector<2048x64xf32>
    %select_n3A_30 = arith.select %eq3A_21, %broadcast_in_dim3A_29, %add3A_14 : vector<2048x64xi1>, vector<2048x64xf32>
    %reduce_max3A_31 = arith.constant dense<0xFF800000> : vector<2048xf32>
    %reduce_max3A_32 = vector.multi_reduction <maximumf>, %select_n3A_30, %reduce_max3A_31 [1] : vector<2048x64xf32> to vector<2048xf32>
    %broadcast_in_dim3A_33 = vector.shape_cast %reduce_max3A_32 : vector<2048xf32> to vector<2048x1xf32>
    %eq3A_34 = vector.broadcast %broadcast_in_dim3A_33 : vector<2048x1xf32> to vector<2048x64xf32>
    %eq3A_35 = arith.cmpf oeq, %select_n3A_30, %eq3A_34 : vector<2048x64xf32>
    %jit3A_36 = arith.constant 64 : i32
    %broadcast_in_dim3A_37 = vector.broadcast %jit3A_36 : i32 to vector<2048x64xi32>
    %select_n3A_38 = arith.select %eq3A_35, %iota3A, %broadcast_in_dim3A_37 : vector<2048x64xi1>, vector<2048x64xi32>
    %reduce_min3A_39 = arith.constant dense<2147483647> : vector<2048xi32>
    %reduce_min3A_40 = vector.multi_reduction <minsi>, %select_n3A_38, %reduce_min3A_39 [1] : vector<2048x64xi32> to vector<2048xi32>
    %broadcast_in_dim3A_41 = vector.shape_cast %reduce_min3A_40 : vector<2048xi32> to vector<2048x1xi32>
    %eq3A_42 = vector.broadcast %broadcast_in_dim3A_41 : vector<2048x1xi32> to vector<2048x64xi32>
    %eq3A_43 = arith.cmpi eq, %iota3A, %eq3A_42 : vector<2048x64xi32>
    %jit3A_44 = arith.constant 0xFF800000 : f32
    %broadcast_in_dim3A_45 = vector.broadcast %jit3A_44 : f32 to vector<2048x64xf32>
    %select_n3A_46 = arith.select %eq3A_43, %logistic3A_10, %broadcast_in_dim3A_45 : vector<2048x64xi1>, vector<2048x64xf32>
    %reduce_max3A_47 = arith.constant dense<0xFF800000> : vector<2048xf32>
    %reduce_max3A_48 = vector.multi_reduction <maximumf>, %select_n3A_46, %reduce_max3A_47 [1] : vector<2048x64xf32> to vector<2048xf32>
    %broadcast_in_dim3A_49 = vector.shape_cast %reduce_max3A_48 : vector<2048xf32> to vector<2048x1xf32>
    %add3A_50 = arith.addf %broadcast_in_dim3A_27, %broadcast_in_dim3A_49 : vector<2048x1xf32>
    %add3A_51 = arith.constant 9.99999968E-21 : f32
    %add3A_52 = vector.broadcast %add3A_51 : f32 to vector<2048x1xf32>
    %add3A_53 = arith.addf %add3A_50, %add3A_52 : vector<2048x1xf32>
    %convert_element_type3A = arith.extui %eq3A_21 : vector<2048x64xi1> to vector<2048x64xi32>
    %convert_element_type3A_54 = arith.sitofp %convert_element_type3A : vector<2048x64xi32> to vector<2048x64xf32>
    %convert_element_type3A_55 = arith.extui %eq3A_43 : vector<2048x64xi1> to vector<2048x64xi32>
    %convert_element_type3A_56 = arith.sitofp %convert_element_type3A_55 : vector<2048x64xi32> to vector<2048x64xf32>
    %add3A_57 = arith.addf %convert_element_type3A_54, %convert_element_type3A_56 : vector<2048x64xf32>
    %jit3A_58 = arith.constant 0 : i32
    %convert_element_type3A_59 = arith.sitofp %jit3A_58 : i32 to f32
    %pad3A = vector.broadcast %convert_element_type3A_59 : f32 to vector<1x64xf32>
    %pad3A_60 = tpu.concatenate %pad3A, %add3A_57 in 0 : vector<1x64xf32>, vector<2048x64xf32> -> vector<2049x64xf32>
    %slice3A = vector.extract_strided_slice %pad3A_60 {offsets = [0, 0], sizes = [2048, 64], strides = [1, 1]} : vector<2049x64xf32> to vector<2048x64xf32>
    %add3A_61 = arith.addf %add3A_57, %slice3A : vector<2048x64xf32>
    %jit3A_62 = arith.constant 0 : i32
    %convert_element_type3A_63 = arith.sitofp %jit3A_62 : i32 to f32
    %pad3A_64 = vector.broadcast %convert_element_type3A_63 : f32 to vector<2x64xf32>
    %pad3A_65 = tpu.concatenate %pad3A_64, %add3A_61 in 0 : vector<2x64xf32>, vector<2048x64xf32> -> vector<2050x64xf32>
    %slice3A_66 = vector.extract_strided_slice %pad3A_65 {offsets = [0, 0], sizes = [2048, 64], strides = [1, 1]} : vector<2050x64xf32> to vector<2048x64xf32>
    %add3A_67 = arith.addf %add3A_61, %slice3A_66 : vector<2048x64xf32>
    %jit3A_68 = arith.constant 0 : i32
    %convert_element_type3A_69 = arith.sitofp %jit3A_68 : i32 to f32
    %pad3A_70 = vector.broadcast %convert_element_type3A_69 : f32 to vector<4x64xf32>
    %pad3A_71 = tpu.concatenate %pad3A_70, %add3A_67 in 0 : vector<4x64xf32>, vector<2048x64xf32> -> vector<2052x64xf32>
    %slice3A_72 = vector.extract_strided_slice %pad3A_71 {offsets = [0, 0], sizes = [2048, 64], strides = [1, 1]} : vector<2052x64xf32> to vector<2048x64xf32>
    %add3A_73 = arith.addf %add3A_67, %slice3A_72 : vector<2048x64xf32>
    %jit3A_74 = arith.constant 0 : i32
    %convert_element_type3A_75 = arith.sitofp %jit3A_74 : i32 to f32
    %pad3A_76 = vector.broadcast %convert_element_type3A_75 : f32 to vector<8x64xf32>
    %pad3A_77 = tpu.concatenate %pad3A_76, %add3A_73 in 0 : vector<8x64xf32>, vector<2048x64xf32> -> vector<2056x64xf32>
    %slice3A_78 = vector.extract_strided_slice %pad3A_77 {offsets = [0, 0], sizes = [2048, 64], strides = [1, 1]} : vector<2056x64xf32> to vector<2048x64xf32>
    %add3A_79 = arith.addf %add3A_73, %slice3A_78 : vector<2048x64xf32>
    %jit3A_80 = arith.constant 0 : i32
    %convert_element_type3A_81 = arith.sitofp %jit3A_80 : i32 to f32
    %pad3A_82 = vector.broadcast %convert_element_type3A_81 : f32 to vector<16x64xf32>
    %pad3A_83 = tpu.concatenate %pad3A_82, %add3A_79 in 0 : vector<16x64xf32>, vector<2048x64xf32> -> vector<2064x64xf32>
    %slice3A_84 = vector.extract_strided_slice %pad3A_83 {offsets = [0, 0], sizes = [2048, 64], strides = [1, 1]} : vector<2064x64xf32> to vector<2048x64xf32>
    %add3A_85 = arith.addf %add3A_79, %slice3A_84 : vector<2048x64xf32>
    %jit3A_86 = arith.constant 0 : i32
    %convert_element_type3A_87 = arith.sitofp %jit3A_86 : i32 to f32
    %pad3A_88 = vector.broadcast %convert_element_type3A_87 : f32 to vector<32x64xf32>
    %pad3A_89 = tpu.concatenate %pad3A_88, %add3A_85 in 0 : vector<32x64xf32>, vector<2048x64xf32> -> vector<2080x64xf32>
    %slice3A_90 = vector.extract_strided_slice %pad3A_89 {offsets = [0, 0], sizes = [2048, 64], strides = [1, 1]} : vector<2080x64xf32> to vector<2048x64xf32>
    %add3A_91 = arith.addf %add3A_85, %slice3A_90 : vector<2048x64xf32>
    %jit3A_92 = arith.constant 0 : i32
    %convert_element_type3A_93 = arith.sitofp %jit3A_92 : i32 to f32
    %pad3A_94 = vector.broadcast %convert_element_type3A_93 : f32 to vector<64x64xf32>
    %pad3A_95 = tpu.concatenate %pad3A_94, %add3A_91 in 0 : vector<64x64xf32>, vector<2048x64xf32> -> vector<2112x64xf32>
    %slice3A_96 = vector.extract_strided_slice %pad3A_95 {offsets = [0, 0], sizes = [2048, 64], strides = [1, 1]} : vector<2112x64xf32> to vector<2048x64xf32>
    %add3A_97 = arith.addf %add3A_91, %slice3A_96 : vector<2048x64xf32>
    %jit3A_98 = arith.constant 0 : i32
    %convert_element_type3A_99 = arith.sitofp %jit3A_98 : i32 to f32
    %pad3A_100 = vector.broadcast %convert_element_type3A_99 : f32 to vector<128x64xf32>
    %pad3A_101 = tpu.concatenate %pad3A_100, %add3A_97 in 0 : vector<128x64xf32>, vector<2048x64xf32> -> vector<2176x64xf32>
    %slice3A_102 = vector.extract_strided_slice %pad3A_101 {offsets = [0, 0], sizes = [2048, 64], strides = [1, 1]} : vector<2176x64xf32> to vector<2048x64xf32>
    %add3A_103 = arith.addf %add3A_97, %slice3A_102 : vector<2048x64xf32>
    %jit3A_104 = arith.constant 0 : i32
    %convert_element_type3A_105 = arith.sitofp %jit3A_104 : i32 to f32
    %pad3A_106 = vector.broadcast %convert_element_type3A_105 : f32 to vector<256x64xf32>
    %pad3A_107 = tpu.concatenate %pad3A_106, %add3A_103 in 0 : vector<256x64xf32>, vector<2048x64xf32> -> vector<2304x64xf32>
    %slice3A_108 = vector.extract_strided_slice %pad3A_107 {offsets = [0, 0], sizes = [2048, 64], strides = [1, 1]} : vector<2304x64xf32> to vector<2048x64xf32>
    %add3A_109 = arith.addf %add3A_103, %slice3A_108 : vector<2048x64xf32>
    %jit3A_110 = arith.constant 0 : i32
    %convert_element_type3A_111 = arith.sitofp %jit3A_110 : i32 to f32
    %pad3A_112 = vector.broadcast %convert_element_type3A_111 : f32 to vector<512x64xf32>
    %pad3A_113 = tpu.concatenate %pad3A_112, %add3A_109 in 0 : vector<512x64xf32>, vector<2048x64xf32> -> vector<2560x64xf32>
    %slice3A_114 = vector.extract_strided_slice %pad3A_113 {offsets = [0, 0], sizes = [2048, 64], strides = [1, 1]} : vector<2560x64xf32> to vector<2048x64xf32>
    %add3A_115 = arith.addf %add3A_109, %slice3A_114 : vector<2048x64xf32>
    %jit3A_116 = arith.constant 0 : i32
    %convert_element_type3A_117 = arith.sitofp %jit3A_116 : i32 to f32
    %pad3A_118 = vector.broadcast %convert_element_type3A_117 : f32 to vector<1024x64xf32>
    %pad3A_119 = tpu.concatenate %pad3A_118, %add3A_115 in 0 : vector<1024x64xf32>, vector<2048x64xf32> -> vector<3072x64xf32>
    %slice3A_120 = vector.extract_strided_slice %pad3A_119 {offsets = [0, 0], sizes = [2048, 64], strides = [1, 1]} : vector<3072x64xf32> to vector<2048x64xf32>
    %add3A_121 = arith.addf %add3A_115, %slice3A_120 : vector<2048x64xf32>
    %sub3A = arith.subf %add3A_121, %add3A_57 : vector<2048x64xf32>
    %jit3A_122 = arith.constant 0.000000e+00 : f32
    %broadcast_in_dim3A_123 = vector.broadcast %jit3A_122 : f32 to vector<2048x64xf32>
    %select_n3A_124 = arith.select %eq3A_21, %sub3A, %broadcast_in_dim3A_123 : vector<2048x64xi1>, vector<2048x64xf32>
    %reduce_sum3A = arith.constant dense<0.000000e+00> : vector<2048xf32>
    %reduce_sum3A_125 = vector.multi_reduction <add>, %select_n3A_124, %reduce_sum3A [1] : vector<2048x64xf32> to vector<2048xf32>
    %broadcast_in_dim3A_126 = vector.shape_cast %reduce_sum3A_125 : vector<2048xf32> to vector<2048x1xf32>
    %jit3A_127 = arith.constant 0.000000e+00 : f32
    %broadcast_in_dim3A_128 = vector.broadcast %jit3A_127 : f32 to vector<2048x64xf32>
    %select_n3A_129 = arith.select %eq3A_43, %sub3A, %broadcast_in_dim3A_128 : vector<2048x64xi1>, vector<2048x64xf32>
    %reduce_sum3A_130 = arith.constant dense<0.000000e+00> : vector<2048xf32>
    %reduce_sum3A_131 = vector.multi_reduction <add>, %select_n3A_129, %reduce_sum3A_130 [1] : vector<2048x64xf32> to vector<2048xf32>
    %broadcast_in_dim3A_132 = vector.shape_cast %reduce_sum3A_131 : vector<2048xf32> to vector<2048x1xf32>
    %convert_element_type3A_133 = arith.fptosi %broadcast_in_dim3A_126 : vector<2048x1xf32> to vector<2048x1xi32>
    %convert_element_type3A_134 = arith.fptosi %broadcast_in_dim3A_132 : vector<2048x1xf32> to vector<2048x1xi32>
    %lt3A = arith.constant 256 : i32
    %lt3A_135 = vector.broadcast %lt3A : i32 to vector<2048x1xi32>
    %lt3A_136 = arith.cmpi slt, %convert_element_type3A_133, %lt3A_135 : vector<2048x1xi32>
    %lt3A_137 = arith.constant 256 : i32
    %lt3A_138 = vector.broadcast %lt3A_137 : i32 to vector<2048x1xi32>
    %lt3A_139 = arith.cmpi slt, %convert_element_type3A_134, %lt3A_138 : vector<2048x1xi32>
    %mul3A = arith.constant 256 : i32
    %mul3A_140 = vector.broadcast %mul3A : i32 to vector<2048x1xi32>
    %mul3A_141 = arith.muli %broadcast_in_dim3A_19, %mul3A_140 : vector<2048x1xi32>
    %min3A = arith.constant 255 : i32
    %min3A_142 = vector.broadcast %min3A : i32 to vector<2048x1xi32>
    %min3A_143 = arith.minsi %convert_element_type3A_133, %min3A_142 : vector<2048x1xi32>
    %add3A_144 = arith.addi %mul3A_141, %min3A_143 : vector<2048x1xi32>
    %mul3A_145 = arith.constant 256 : i32
    %mul3A_146 = vector.broadcast %mul3A_145 : i32 to vector<2048x1xi32>
    %mul3A_147 = arith.muli %broadcast_in_dim3A_41, %mul3A_146 : vector<2048x1xi32>
    %min3A_148 = arith.constant 255 : i32
    %min3A_149 = vector.broadcast %min3A_148 : i32 to vector<2048x1xi32>
    %min3A_150 = arith.minsi %convert_element_type3A_134, %min3A_149 : vector<2048x1xi32>
    %add3A_151 = arith.addi %mul3A_147, %min3A_150 : vector<2048x1xi32>
    %jit3A_152 = arith.constant 16384 : i32
    %broadcast_in_dim3A_153 = vector.broadcast %jit3A_152 : i32 to vector<2048x1xi32>
    %select_n3A_154 = arith.select %lt3A_136, %add3A_144, %broadcast_in_dim3A_153 : vector<2048x1xi1>, vector<2048x1xi32>
    %swap3A = arith.constant 0 : index
    %swap3A_155 = arith.constant 0 : index
    %swap3A_156 = vector.load %arg3[%swap3A, %swap3A_155] : memref<2048x1xi32, #tpu.memory_space<vmem>>, vector<2048x1xi32>
    tpu.vector_store %arg3[%swap3A, %swap3A_155], %select_n3A_154 {strides = array<i32>} : memref<2048x1xi32, #tpu.memory_space<vmem>>, vector<2048x1xi32>,
    %jit3A_157 = arith.constant 16384 : i32
    %broadcast_in_dim3A_158 = vector.broadcast %jit3A_157 : i32 to vector<2048x1xi32>
    %select_n3A_159 = arith.select %lt3A_139, %add3A_151, %broadcast_in_dim3A_158 : vector<2048x1xi1>, vector<2048x1xi32>
    %swap3A_160 = arith.constant 0 : index
    %swap3A_161 = arith.constant 0 : index
    %swap3A_162 = vector.load %arg4[%swap3A_160, %swap3A_161] : memref<2048x1xi32, #tpu.memory_space<vmem>>, vector<2048x1xi32>
    tpu.vector_store %arg4[%swap3A_160, %swap3A_161], %select_n3A_159 {strides = array<i32>} : memref<2048x1xi32, #tpu.memory_space<vmem>>, vector<2048x1xi32>,
    %swap3A_163 = arith.constant 0 : index
    %swap3A_164 = arith.constant 0 : index
    %swap3A_165 = vector.load %arg5[%swap3A_163, %swap3A_164] : memref<2048x1xi32, #tpu.memory_space<vmem>>, vector<2048x1xi32>
    tpu.vector_store %arg5[%swap3A_163, %swap3A_164], %add3A_144 {strides = array<i32>} : memref<2048x1xi32, #tpu.memory_space<vmem>>, vector<2048x1xi32>,
    %swap3A_166 = arith.constant 0 : index
    %swap3A_167 = arith.constant 0 : index
    %swap3A_168 = vector.load %arg6[%swap3A_166, %swap3A_167] : memref<2048x1xi32, #tpu.memory_space<vmem>>, vector<2048x1xi32>
    tpu.vector_store %arg6[%swap3A_166, %swap3A_167], %add3A_151 {strides = array<i32>} : memref<2048x1xi32, #tpu.memory_space<vmem>>, vector<2048x1xi32>,
    %div3A = arith.divf %broadcast_in_dim3A_27, %add3A_53 : vector<2048x1xf32>
    %jit3A_169 = arith.constant 0.000000e+00 : f32
    %broadcast_in_dim3A_170 = vector.broadcast %jit3A_169 : f32 to vector<2048x1xf32>
    %select_n3A_171 = arith.select %lt3A_136, %div3A, %broadcast_in_dim3A_170 : vector<2048x1xi1>, vector<2048x1xf32>
    %swap3A_172 = arith.constant 0 : index
    %swap3A_173 = arith.constant 0 : index
    %swap3A_174 = vector.load %arg7[%swap3A_172, %swap3A_173] : memref<2048x1xf32, #tpu.memory_space<vmem>>, vector<2048x1xf32>
    tpu.vector_store %arg7[%swap3A_172, %swap3A_173], %select_n3A_171 {strides = array<i32>} : memref<2048x1xf32, #tpu.memory_space<vmem>>, vector<2048x1xf32>,
    %div3A_175 = arith.divf %broadcast_in_dim3A_49, %add3A_53 : vector<2048x1xf32>
    %jit3A_176 = arith.constant 0.000000e+00 : f32
    %broadcast_in_dim3A_177 = vector.broadcast %jit3A_176 : f32 to vector<2048x1xf32>
    %select_n3A_178 = arith.select %lt3A_139, %div3A_175, %broadcast_in_dim3A_177 : vector<2048x1xi1>, vector<2048x1xf32>
    %swap3A_179 = arith.constant 0 : index
    %swap3A_180 = arith.constant 0 : index
    %swap3A_181 = vector.load %arg8[%swap3A_179, %swap3A_180] : memref<2048x1xf32, #tpu.memory_space<vmem>>, vector<2048x1xf32>
    tpu.vector_store %arg8[%swap3A_179, %swap3A_180], %select_n3A_178 {strides = array<i32>} : memref<2048x1xf32, #tpu.memory_space<vmem>>, vector<2048x1xf32>,
    %slice3A_182 = vector.extract_strided_slice %add3A_121 {offsets = [2047, 0], sizes = [1, 64], strides = [1, 1]} : vector<2048x64xf32> to vector<1x64xf32>
    %convert_element_type3A_183 = arith.fptosi %slice3A_182 : vector<1x64xf32> to vector<1x64xi32>
    %swap3A_184 = arith.constant 0 : index
    %swap3A_185 = arith.constant 0 : index
    %swap3A_186 = vector.load %arg9[%swap3A_184, %swap3A_185] : memref<1x64xi32, #tpu.memory_space<vmem>>, vector<1x64xi32>
    tpu.vector_store %arg9[%swap3A_184, %swap3A_185], %convert_element_type3A_183 {strides = array<i32>} : memref<1x64xi32, #tpu.memory_space<vmem>>, vector<1x64xi32>,
    return
  }
}

module attributes {stable_mosaic.version = 14 : i64} {
  func.func @_expert_body(%arg0: i32, %arg1: memref<1x256x1024xf32, #tpu.memory_space<vmem>>, %arg2: memref<1x1024x256xf32, #tpu.memory_space<vmem>>, %arg3: memref<1x1024x256xf32, #tpu.memory_space<vmem>>, %arg4: memref<1x256x1024xf32, #tpu.memory_space<vmem>>, %arg5: memref<1x256x1024xf32, #tpu.memory_space<vmem>>) attributes {dimension_semantics = [#tpu.dimension_semantics<arbitrary>], iteration_bounds = array<i64: 64>, scalar_prefetch = 0 : i64, scratch_operands = 0 : i64, tpu.core_type = #tpu.core_type<tc>, window_params = [{transform_indices = @transform_0, window_bounds = array<i64: 1, 256, 1024>}, {transform_indices = @transform_1, window_bounds = array<i64: 1, 1024, 256>}, {transform_indices = @transform_2, window_bounds = array<i64: 1, 1024, 256>}, {transform_indices = @transform_3, window_bounds = array<i64: 1, 256, 1024>}, {transform_indices = @transform_4, window_bounds = array<i64: 1, 256, 1024>}]} {
    %get3A = arith.constant 0 : index
    %get3A_0 = arith.constant 0 : index
    %get3A_1 = arith.constant 0 : index
    %get3A_2 = vector.load %arg1[%get3A, %get3A_0, %get3A_1] : memref<1x256x1024xf32, #tpu.memory_space<vmem>>, vector<1x256x1024xf32>
    %get3A_3 = vector.shape_cast %get3A_2 : vector<1x256x1024xf32> to vector<256x1024xf32>
    %get3A_4 = arith.constant 0 : index
    %get3A_5 = arith.constant 0 : index
    %get3A_6 = arith.constant 0 : index
    %get3A_7 = vector.load %arg2[%get3A_4, %get3A_5, %get3A_6] : memref<1x1024x256xf32, #tpu.memory_space<vmem>>, vector<1x1024x256xf32>
    %get3A_8 = vector.shape_cast %get3A_7 : vector<1x1024x256xf32> to vector<1024x256xf32>
    %dot_general3A = arith.constant dense<0.000000e+00> : vector<256x256xf32>
    %dot_general3A_9 = tpu.matmul %get3A_3, %get3A_8, %dot_general3A {dimension_numbers = #tpu.dot_dimension_numbers<[1], [0], [0], [1], [0, 0, 1, 1], [], []>, transpose_lhs_hint = false} : vector<256x1024xf32>, vector<1024x256xf32>, vector<256x256xf32> -> vector<256x256xf32>
    %get3A_10 = arith.constant 0 : index
    %get3A_11 = arith.constant 0 : index
    %get3A_12 = arith.constant 0 : index
    %get3A_13 = vector.load %arg3[%get3A_10, %get3A_11, %get3A_12] : memref<1x1024x256xf32, #tpu.memory_space<vmem>>, vector<1x1024x256xf32>
    %get3A_14 = vector.shape_cast %get3A_13 : vector<1x1024x256xf32> to vector<1024x256xf32>
    %dot_general3A_15 = arith.constant dense<0.000000e+00> : vector<256x256xf32>
    %dot_general3A_16 = tpu.matmul %get3A_3, %get3A_14, %dot_general3A_15 {dimension_numbers = #tpu.dot_dimension_numbers<[1], [0], [0], [1], [0, 0, 1, 1], [], []>, transpose_lhs_hint = false} : vector<256x1024xf32>, vector<1024x256xf32>, vector<256x256xf32> -> vector<256x256xf32>
    %logistic3A = arith.negf %dot_general3A_9 : vector<256x256xf32>
    %logistic3A_17 = math.exp %logistic3A : vector<256x256xf32>
    %logistic3A_18 = arith.constant 1.000000e+00 : f32
    %logistic3A_19 = vector.broadcast %logistic3A_18 : f32 to vector<256x256xf32>
    %logistic3A_20 = arith.addf %logistic3A_19, %logistic3A_17 : vector<256x256xf32>
    %logistic3A_21 = arith.divf %logistic3A_19, %logistic3A_20 : vector<256x256xf32>
    %mul3A = arith.mulf %dot_general3A_9, %logistic3A_21 : vector<256x256xf32>
    %mul3A_22 = arith.mulf %mul3A, %dot_general3A_16 : vector<256x256xf32>
    %get3A_23 = arith.constant 0 : index
    %get3A_24 = arith.constant 0 : index
    %get3A_25 = arith.constant 0 : index
    %get3A_26 = vector.load %arg4[%get3A_23, %get3A_24, %get3A_25] : memref<1x256x1024xf32, #tpu.memory_space<vmem>>, vector<1x256x1024xf32>
    %get3A_27 = vector.shape_cast %get3A_26 : vector<1x256x1024xf32> to vector<256x1024xf32>
    %dot_general3A_28 = arith.constant dense<0.000000e+00> : vector<256x1024xf32>
    %dot_general3A_29 = tpu.matmul %mul3A_22, %get3A_27, %dot_general3A_28 {dimension_numbers = #tpu.dot_dimension_numbers<[1], [0], [0], [1], [0, 0, 1, 1], [], []>, transpose_lhs_hint = false} : vector<256x256xf32>, vector<256x1024xf32>, vector<256x1024xf32> -> vector<256x1024xf32>
    %swap3A = arith.constant 0 : index
    %swap3A_30 = arith.constant 0 : index
    %swap3A_31 = arith.constant 0 : index
    %swap3A_32 = vector.load %arg5[%swap3A, %swap3A_30, %swap3A_31] : memref<1x256x1024xf32, #tpu.memory_space<vmem>>, vector<1x256x1024xf32>
    %swap3A_33 = vector.shape_cast %swap3A_32 : vector<1x256x1024xf32> to vector<256x1024xf32>
    %swap3A_34 = vector.shape_cast %dot_general3A_29 : vector<256x1024xf32> to vector<1x256x1024xf32>
    tpu.vector_store %arg5[%swap3A, %swap3A_30, %swap3A_31], %swap3A_34 {strides = array<i32>} : memref<1x256x1024xf32, #tpu.memory_space<vmem>>, vector<1x256x1024xf32>,
    return
  }
  func.func @transform_0(%arg0: i32) -> (i32, i32, i32) {
    %c0_i32 = arith.constant 0 : i32
    %c0_i32_0 = arith.constant 0 : i32
    %c0_i32_1 = arith.constant 0 : i32
    return %arg0, %c0_i32, %c0_i32_0 : i32, i32, i32
  }
  func.func @transform_1(%arg0: i32) -> (i32, i32, i32) {
    %c0_i32 = arith.constant 0 : i32
    %c0_i32_0 = arith.constant 0 : i32
    %c0_i32_1 = arith.constant 0 : i32
    return %arg0, %c0_i32, %c0_i32_0 : i32, i32, i32
  }
  func.func @transform_2(%arg0: i32) -> (i32, i32, i32) {
    %c0_i32 = arith.constant 0 : i32
    %c0_i32_0 = arith.constant 0 : i32
    %c0_i32_1 = arith.constant 0 : i32
    return %arg0, %c0_i32, %c0_i32_0 : i32, i32, i32
  }
  func.func @transform_3(%arg0: i32) -> (i32, i32, i32) {
    %c0_i32 = arith.constant 0 : i32
    %c0_i32_0 = arith.constant 0 : i32
    %c0_i32_1 = arith.constant 0 : i32
    return %arg0, %c0_i32, %c0_i32_0 : i32, i32, i32
  }
  func.func @transform_4(%arg0: i32) -> (i32, i32, i32) {
    %c0_i32 = arith.constant 0 : i32
    %c0_i32_0 = arith.constant 0 : i32
    %c0_i32_1 = arith.constant 0 : i32
    return %arg0, %c0_i32, %c0_i32_0 : i32, i32, i32
  }
}

</mosaic_0001>

<sc_bundles>
// kernel: kernel.6.cloned.1.call-start
scs
__scs_entry_jumppad:
0x0: {  	(pc) =	sbr.rel $0x88, $3  }
0x1: {  	(tag) =	ssettag $0x0;
	lr =	simm.s32 $0x1  }
0x2: {  	[smem:$0x3F9B] =	sst lr;
	_ =	strace $0xD0000000  }
0x3: {  	_ = 	snop  }
0x4: {  	_ = 	snop  }
0x5: {  	_ = 	snop  }
0x6: {  	_ = 	snop  }
0x7: {  	_ = 	snop  }
__scs_overlays_trampoline_lowered:
0x8: {  	[smem:$0x3FAA] =	sst s0  }
0x9: {  	[smem:$0x3FAB] =	sst s1  }
0xa: {  	[smem:$0x3FAC] =	sst s2  }
0xb: {  	[smem:$0x3FAD] =	sst s3  }
0xc: {  	[smem:$0x3FAE] =	sst s4  }
0xd: {  	[smem:$0x3FAF] =	sst s5  }
0xe: {  	[smem:$0x3FB0] =	sst s6  }
0xf: {  	[smem:$0x3FB1] =	sst s7  }
0x10: {  	[smem:$0x3FB2] =	sst s8  }
0x11: {  	[smem:$0x3FB3] =	sst s9;
	s0 =	simm.s32 @!p0 $0x0  }
0x12: {  	s1 =	sld [smem:$0x3F99];
	s0 =	simm.s32 @p0 $0x1  }
0x13: {  	[smem:$0x3FB4] =	sst s0;
	s0 =	simm.s32 @!p1 $0x0  }
0x14: {  	s2 =	sld [smem:$0x3F98];
	s0 =	simm.s32 @p1 $0x1  }
0x15: {  	[smem:$0x3FB5] =	sst s0;
	s0 =	simm.s32 @!p2 $0x0  }
0x16: {  	s3 =	sld [smem:$0x3FDB];
	s0 =	simm.s32 @p2 $0x1  }
0x17: {  	s4 =	simm.s32 $0x1BF5;
	[smem:$0x3FB7] =	sst s0  }
0x18: {  	s0 =	sld [smem:$0x3F9A];
	_ =	swait.ge [sflag:s4], $0x0  }
0x19: {  	s7 =	sld [smem:$0x3F9B]  }
0x1a: {  	s8 =	sadd.s32 $0xFFFFE003, lr  }
0x1b: {  	s9 =	sadd.s32 $0xFFFFFEF7, lr;
	s5 =	simm.s32 $0xFFFFFFFF;
	p2 =	slt.u32 s8, $0xFFFFF086  }
0x1c: {  	p1 =	slt.u32 s9, $0xF7A;
	s5 =	simm.s32 @!p2 $0x0  }
0x1d: {  	s5 =	simm.s32 @p1 $0x1;
	p0 =	seq.s32 s7, s2  }
0x1e: {  	s7 =	smul.u32 @!p0 $0xF7A, s2;
	p2 =	seq.s32 @!p0 s5, $0x0  }
0x1f: {  	s9 =	smul.u32 $0xF7A, s1;
	s8 =	simm.s32 @!p0 $0x1BF5;
	p2 =	por !p2, p0  }
0x20: {  	[sflag:s8] =	ssyncset.s32 @!p0 $0xFFFFF086;
	s6 =	sadd.s32 @!p0 s3, s7;
	s7 =	simm.s32 @!p0 $0x108  }
0x21: {  	s3 =	sadd.s32 s3, s9;
	s6 =	sadd.s32 @!p0 $0x88, s6;
	s7 =	simm.s32 @p2 $0x1082  }
0x22: {  	[simem:s7], [sflag:s8] =	dma.local @!p0 [hbm:s6], $0xF7A  }
0x23: {  	s9 =	sor.u32 $0xD0000000, s2;
	s6 =	simm.s32 $0x108;
	_ =	swait.ge @!p0 [sflag:s8], $0x0  }
0x24: {  	s3 =	sadd.s32 $0x88, s3;
	s6 =	simm.s32 @!p1 $0x1082;
	[sflag:s4] =	ssyncset.s32 $0xFFFFF086  }
0x25: {  	[simem:s6], [sflag:s4] =	dma.local [hbm:s3], $0xF7A  }
0x26: {  	[smem:$0x3F9B] =	sst s1;
	(tag) =	ssettag s2;
	_ =	strace s9  }
0x27: {  	s1 =	sld [smem:$0x3FAB]  }
0x28: {  	s2 =	sld [smem:$0x3FAC]  }
0x29: {  	s4 =	sld [smem:$0x3FAE]  }
0x2a: {  	p0 =	seq.s32 s5, $0x0;
	s5 =	sld [smem:$0x3FAF]  }
0x2b: {  	s6 =	sld [smem:$0x3FB0]  }
0x2c: {  	s7 =	sld [smem:$0x3FB1]  }
0x2d: {  	s3 =	simm.s32 $0x108;
	s8 =	sld [smem:$0x3FB2]  }
0x2e: {  	s3 =	simm.s32 @!p0 $0x1082;
	s9 =	sld [smem:$0x3FB3]  }
0x2f: {  	lr =	sadd.s32 s0, s3;
	s0 =	sld [smem:$0x3FAA]  }
0x30: {  	s3 =	sld [smem:$0x3FAD]  }
0x31: {  	[smem:$0x3FB6] =	sst s10  }
0x32: {  	s10 =	sld [smem:$0x3FB4];
	_ =	sdelay $0x3  }
0x33: {  	p0 =	seq.s32 s10, $0x1;
	s10 =	sld [smem:$0x3FB6];
	_ =	sdelay $0x3  }
0x34: {  	[smem:$0x3FB6] =	sst s10  }
0x35: {  	s10 =	sld [smem:$0x3FB5];
	_ =	sdelay $0x3  }
0x36: {  	p1 =	seq.s32 s10, $0x1;
	s10 =	sld [smem:$0x3FB6];
	_ =	sdelay $0x3  }
0x37: {  	[smem:$0x3FB6] =	sst s10  }
0x38: {  	s10 =	sld [smem:$0x3FB7]  }
0x39: {  	_ = 	snop;
	(pc) =	sbr.ind lr, $3  }
0x3a: {  	_ = 	snop  }
0x3b: {  	_ = 	snop  }
0x3c: {  	p2 =	seq.s32 s10, $0x1;
	s10 =	sld [smem:$0x3FB6]  }
0x3d: {  	_ =	shalt  }
0x3e: {  	_ =	shalt  }
0x3f: {  	_ =	shalt  }
0x40: {  	_ =	shalt  }
0x41: {  	_ =	shalt  }
0x42: {  	_ =	shalt  }
0x43: {  	_ =	shalt  }
0x44: {  	_ =	shalt  }
0x45: {  	_ =	shalt  }
0x46: {  	_ =	shalt  }
0x47: {  	_ =	shalt  }
0x48: {  	_ =	shalt  }
0x49: {  	_ =	shalt  }
0x4a: {  	_ =	shalt  }
0x4b: {  	_ =	shalt  }
0x4c: {  	_ =	shalt  }
0x4d: {  	_ =	shalt  }
0x4e: {  	_ =	shalt  }
0x4f: {  	_ =	shalt  }
0x50: {  	_ =	shalt  }
0x51: {  	_ =	shalt  }
0x52: {  	_ =	shalt  }
0x53: {  	_ =	shalt  }
0x54: {  	_ =	shalt  }
0x55: {  	_ =	shalt  }
0x56: {  	_ =	shalt  }
0x57: {  	_ =	shalt  }
0x58: {  	_ =	shalt  }
0x59: {  	_ =	shalt  }
0x5a: {  	_ =	shalt  }
0x5b: {  	_ =	shalt  }
0x5c: {  	_ =	shalt  }
0x5d: {  	_ =	shalt  }
0x5e: {  	_ =	shalt  }
0x5f: {  	_ =	shalt  }
0x60: {  	_ =	shalt  }
0x61: {  	_ =	shalt  }
0x62: {  	_ =	shalt  }
0x63: {  	_ =	shalt  }
0x64: {  	_ =	shalt  }
0x65: {  	_ =	shalt  }
0x66: {  	_ =	shalt  }
0x67: {  	_ =	shalt  }
0x68: {  	_ =	shalt  }
0x69: {  	_ =	shalt  }
0x6a: {  	_ =	shalt  }
0x6b: {  	_ =	shalt  }
0x6c: {  	_ =	shalt  }
0x6d: {  	_ =	shalt  }
0x6e: {  	_ =	shalt  }
0x6f: {  	_ =	shalt  }
0x70: {  	_ =	shalt  }
0x71: {  	_ =	shalt  }
0x72: {  	_ =	shalt  }
0x73: {  	_ =	shalt  }
0x74: {  	_ =	shalt  }
0x75: {  	_ =	shalt  }
0x76: {  	_ =	shalt  }
0x77: {  	_ =	shalt  }
0x78: {  	_ =	shalt  }
0x79: {  	_ =	shalt  }
0x7a: {  	_ =	shalt  }
0x7b: {  	_ =	shalt  }
0x7c: {  	_ =	shalt  }
0x7d: {  	_ =	shalt  }
0x7e: {  	_ =	shalt  }
0x7f: {  	_ =	shalt  }
0x80: {  	_ =	shalt  }
0x81: {  	_ =	shalt  }
0x82: {  	_ =	shalt  }
0x83: {  	_ =	shalt  }
0x84: {  	_ =	shalt  }
0x85: {  	_ =	shalt  }
0x86: {  	_ =	shalt  }
0x87: {  	_ =	shalt  }
.Lfunc_end0:
.L_simem_size_0:
called_computation_lowered:
.L_overlay_start_0:
0x88: {  	s2 =	sld [smem:$0x3FD9]  }
0x89: {  	s3 =	sld [smem:$0x3FFE];
	_ =	sdelay $0x1  }
0x8a: {  	s1 =	srdreg.scid  }
0x8b: {  	s0 =	sand.u32 $0x1, s1  }
0x8c: {  	s17 =	sshll.u32 s0, $0xA;
	s2 =	sadd.s32 s3, s2  }
0x8d: {  	s2 =	sadd.s32 s2, s17  }
0x8e: {  	[smem:$0x3FC2] =	sst s2  }
0x8f: {  	_ = 	snop  }
0x90: {  	s2 =	sld [smem:$0x3FC9]  }
0x91: {  	s18 =	sld [smem:$0x3FD0];
	(tm) =	ssettm $0x1  }
0x92: {  	s4 =	sld [smem:$0x3FFB];
	_ =	sdelay $0x3  }
0x93: {  	_ =	strace s4  }
0x94: {  	s4 =	sld [smem:$0x3FFC];
	_ =	sdelay $0x3  }
0x95: {  	_ =	strace s4  }
0x96: {  	s4 =	sld [smem:$0x3FFD];
	_ =	sdelay $0x3  }
0x97: {  	_ =	strace s4  }
0x98: {  	_ =	strace $0x8FFFFFFF  }
0x99: {  	s19 =	sld [smem:$0x3FDB];
	_ =	sdelay $0x1  }
0x9a: {  	s5 =	simm.s32 $_scs_section_size  }
0x9b: {  	s6 =	simm.s32 $_size__tile_overlayer_lowered;
	s7 =	simm.s32 $_tile_overlayer_lowered  }
0x9c: {  	s22 =	simm.s32 $0x1BFF;
	s21 =	sshll.u32 s7, $0x1;
	s4 =	sadd.s32 s5, s19  }
0x9d: {  	s8 =	simm.s32 $0x0;
	s20 =	sshll.u32 s6, $0x1;
	s6 =	sadd.s32 s21, s4  }
0x9e: {  	[timem:s8], [sflag:s22] =	dma.local [hbm:s6], s20  }
0x9f: {  	_ =	swait.ge [sflag:s22], s20  }
0xa0: {  	s5 =	ssub.s32 $0x0, s20;
	[sflag:s22] =	ssyncset.done $0x0  }
0xa1: {  	[sflag:s22] =	ssyncadd.s32 s5;
	_ =	sdelay $0x1  }
0xa2: {  	s23 =	simm.s32 $0x1B8B  }
0xa3: {  	_ =	swait.ge [sflag:s23], $0x1  }
0xa4: {  	[sflag:s23] =	ssyncset.done $0x0  }
0xa5: {  	s25 =	simm.s32 $0x1B8E;
	s24 =	sld [smem:$0x3FFE];
	[sflag:s23] =	ssyncadd.s32 $0xFFFFFFFF  }
0xa6: {  	s26 =	simm.s32 $execute0_lowered;
	[smem:$0x3FD2] =	sst s25  }
0xa7: {  	s6 =	sshll.u32 s26, $0x1;
	_ =	strace $0x80000046;
	[dreg:$0x1] =	wrdreg $0xFFFFFFFF  }
0xa8: {  	s28 =	simm.s32 $_size_execute0_lowered;
	s4 =	sadd.s32 s4, s6;
	[dreg:$0x0] =	wrdreg $0x0  }
0xa9: {  	s6 =	sshll.u32 s28, $0x1;
	[dreg:$0x2] =	wrdreg s4  }
0xaa: {  	[dreg:$0x3] =	wrdreg s6  }
0xab: {  	[dreg:$0x4] =	wrdreg $0xC0  }
0xac: {  	_ =	task [dreg:s8], $0x5FFFF  }
0xad: {  	[dreg:$0x1] =	wrdreg $0xFFFFFFFF  }
0xae: {  	[dreg:$0x0] =	wrdreg $0x60  }
0xaf: {  	[dreg:$0x2] =	wrdreg s18  }
0xb0: {  	[dreg:$0x3] =	wrdreg s24  }
0xb1: {  	[dreg:$0x4] =	wrdreg s2  }
0xb2: {  	[dreg:$0x5] =	wrdreg $0x9  }
0xb3: {  	_ =	task.clear_ibuf [dreg:s8], $0x6FFFF;
	_ =	strace $0x90000046  }
0xb4: {  	s29 =	simm.s32 $0x9;
	_ =	strace $0x80000048  }
0xb5: {  	_ =	swait.ge [sflag:s29], $0x1  }
0xb6: {  	[sflag:s29] =	ssyncadd.s32 $0xFFFFFFFF  }
0xb7: {  	_ =	strace $0x90000048  }
0xb8: {  	_ =	sfence  }
0xb9: {  	s30 =	sld [smem:$0x0];
	_ =	sdelay $0x2  }
0xba: {  	s31 =	sshll.u32 s1, $0xD;
	s1 =	sshrl.u32 s1, $0x2  }
0xbb: {  	s3 =	sand.u32 $0x4000, s31;
	s1 =	sadd.s32 s1, s30  }
0xbc: {  	s0 =	sor.u32 s3, s0;
	s1 =	sshll.u32 s1, $0x11  }
0xbd: {  	s0 =	sor.u32 s1, s0  }
0xbe: {  	s0 =	sadd.s32 $0x8F2B, s0  }
0xbf: {  	[sflag:s0] =	ssyncadd.remote.s32 $0x1  }
0xc0: {  	_ =	sfence.sel $0xFFFF  }
0xc1: {  	[dreg:$0x0] =	wrdreg $0xFFFFFFFF;
	(pc) =	sbr.abs _section_cstart, $3  }
0xc2: {  	[dreg:$0x1] =	wrdreg $0xFFFFFFFF  }
0xc3: {  	_ =	task.clear_ibuf [dreg:s8], $0x2FFFF;
	_ =	strace $0x9FFFFFFF  }
0xc4: {  	(tm) =	ssettm $0x7FFFFFFF  }
0xc5: {  	_ =	shalt  }
tec
execute0_lowered:
.L_overlay_start_1:
0x0: {  	(tag) =	ssettag $0x1  }
0x1: {  	s6 =	rddreg [dreg:$0x1]  }
0x2: {  	s3 =	rddreg [dreg:$0x2]  }
0x3: {  	s4 =	simm.s32 $0x0;
	s0 =	srdreg.scid;
	s5 =	stileid.u32  }
0x4: {  	s13 =	simm.s32 $0x2;
	s15 =	simm.s32 $0x1000;
	s17 =	simm.s32 $0x1  }
0x5: {  	s18 =	simm.s32 $0x1300;
	s19 =	simm.s32 $0x1B00;
	s20 =	simm.s32 $0x2300  }
0x6: {  	s21 =	simm.s32 $0x2B00;
	s22 =	simm.s32 $0x3300;
	s23 =	simm.s32 $0x3B00  }
0x7: {  	s28 =	simm.s32 $0x5B00;
	s29 =	simm.s32 $0x6300;
	s30 =	simm.s32 $0x6B00  }
0x8: {  	s31 =	simm.s32 $0x7300;
	[smem:$0x7FF] =	sst s4;
	s1 =	sadd.s32 $0x200, s6  }
0x9: {  	s0 =	sand.u32 $0x1, s0;
	s24 =	sshll.u32 s5, $0x11;
	s5 =	sshll.u32 s5, $0x1  }
0xa: {  	s7 =	sadd.s32 $0x100, s3;
	s8 =	sadd.s32 $0x200, s3;
	s9 =	sadd.s32 $0x300, s3  }
0xb: {  	_ =	strace $0x80000047;
	[dreg:$0x4] =	wrdreg s1;
	s2 =	ssub.s32 $0x2, s0  }
0xc: {  	s1 =	sadd.s32 s24, s6;
	s5 =	sor.u32 s0, s5;
	s0 =	sshll.u32 s0, $0x10  }
0xd: {  	s24 =	simm.s32 $0x4300;
	s25 =	sshrl.u32 s2, $0x1;
	s26 =	sshll.u32 s5, $0x9  }
.Ltmp0:
0xe: {  	s5 =	sshll.u32 s5, $0x3;
	s0 =	sadd.s32 s0, s1;
	(pc) =	sbr.rel .LBB2_1-.Ltmp0, $4  }
0xf: {  	s1 =	simm.s32 $0x8B00;
	s2 =	ssub.s32 s2, s25;
	s10 =	sadd.s32 $0x400, s0  }
0x10: {  	v1 =	vimm.s32 $0x0;
	v2 =	vlaneseq.u32;
	vm0 =	vmmov $0xffff;
	s12 =	sadd.s32 $0x8400, s0;
	s16 =	sshrl.u32 s5, $0x2;
	s25 =	simm.s32 $0x4B00  }
0x11: {  	v3 =	vor.u32 $0x200, v2;
	v5 =	vshrl.u32 v2, $0x3;
	v0 =	vmov s26;
	s26 =	simm.s32 $0x5300;
	s0 =	simm.s32 $0x7B00;
	s2 =	smax.u32 s2, $0x1  }
0x12: {  	v4 =	vand.u32 $0x7, v2;
	v6 =	vor.u32 $0x8, v2;
	v5 =	vmul.u32 $0x8, v5;
	s5 =	simm.s32 $0x8300;
	[dreg:$0x5] =	wrdreg s2;
	s2 =	simm.s32 $0x0  }
.LBB2_7:
0x13: {  	s2 =	sadd.s32 $0x1, s2;
	s6 =	rddreg [dreg:$0x5]  }
0x14: {  	p0 =	sne.s32 s2, s6  }
.Ltmp1:
0x15: {  	_ = 	snop;
	(pc) =	sbr.rel @!p0 .LBB2_8-.Ltmp1, $1  }
0x16: {  	_ =	sdelay $0x3  }
.LBB2_1:
0x17: {  	s6 =	rddreg [dreg:$0x0]  }
0x18: {  	[tilespmem:s4], [sflag:$0x2] =	stream.linear.gather [hbm4b:s6+s4], $0x800, $0x38;
	[tilespmem:$0x9300] =	vst v63  }
0x19: {  	_ =	swait.ge [sflag:s13], $0x800  }
0x1a: {  	[sflag:s13] =	ssyncset.done $0x0  }
0x1b: {  	s14 =	simm.s32 $0x800;
	s11 =	rddreg [dreg:$0x4];
	[sflag:s13] =	ssyncadd.s32 $0xFFFFF800  }
0x1c: {  	[tilespmem:s14], [sflag:$0x2] =	stream.linear.gather [hbm4b:s11+s4], $0x800, $0x38;
	[tilespmem:$0x9300] =	vst v63  }
0x1d: {  	_ =	swait.ge [sflag:s13], $0x800  }
0x1e: {  	[sflag:s13] =	ssyncset.done $0x0  }
0x1f: {  	[sflag:s13] =	ssyncadd.s32 $0xFFFFF800  }
0x20: {  	s11 =	simm.s32 $0x1280;
	s6 =	rddreg [dreg:$0x1]  }
0x21: {  	[tilespmem:s11], [sflag:$0x2] =	stream.linear.gather [hbm4b:s6+s4], $0x40, $0x38;
	[tilespmem:$0x9300] =	vst v63  }
0x22: {  	_ =	swait.ge [sflag:s13], $0x40  }
0x23: {  	[sflag:s13] =	ssyncset.done $0x0  }
0x24: {  	[sflag:s13] =	ssyncadd.s32 $0xFFFFFFC0  }
0x25: {  	[tilespmem:$0x1000] =	vst v1  }
0x26: {  	[tilespmem:$0x1010] =	vst v1  }
0x27: {  	[tilespmem:$0x1020] =	vst v1  }
0x28: {  	[tilespmem:$0x1030] =	vst v1  }
0x29: {  	[tilespmem:$0x1040] =	vst v1  }
0x2a: {  	[tilespmem:$0x1050] =	vst v1  }
0x2b: {  	[tilespmem:$0x1060] =	vst v1  }
0x2c: {  	[tilespmem:$0x1070] =	vst v1  }
0x2d: {  	[tilespmem:$0x1080] =	vst v1  }
0x2e: {  	[tilespmem:$0x1090] =	vst v1  }
0x2f: {  	[tilespmem:$0x10A0] =	vst v1  }
0x30: {  	[tilespmem:$0x10B0] =	vst v1  }
0x31: {  	[tilespmem:$0x10C0] =	vst v1  }
0x32: {  	[tilespmem:$0x10D0] =	vst v1  }
0x33: {  	[tilespmem:$0x10E0] =	vst v1  }
0x34: {  	[tilespmem:$0x10F0] =	vst v1  }
0x35: {  	[tilespmem:$0x1100] =	vst v1  }
0x36: {  	[tilespmem:$0x1110] =	vst v1  }
0x37: {  	[tilespmem:$0x1120] =	vst v1  }
0x38: {  	[tilespmem:$0x1130] =	vst v1  }
0x39: {  	[tilespmem:$0x1140] =	vst v1  }
0x3a: {  	[tilespmem:$0x1150] =	vst v1  }
0x3b: {  	[tilespmem:$0x1160] =	vst v1  }
0x3c: {  	[tilespmem:$0x1170] =	vst v1  }
0x3d: {  	[tilespmem:$0x1180] =	vst v1  }
0x3e: {  	[tilespmem:$0x1190] =	vst v1  }
0x3f: {  	[tilespmem:$0x11A0] =	vst v1  }
0x40: {  	[tilespmem:$0x11B0] =	vst v1  }
0x41: {  	[tilespmem:$0x11C0] =	vst v1  }
0x42: {  	[tilespmem:$0x11D0] =	vst v1  }
0x43: {  	[tilespmem:$0x11E0] =	vst v1  }
0x44: {  	s6 =	simm.s32 $0x0;
	s11 =	simm.s32 $0x0;
	[tilespmem:$0x11F0] =	vst v1  }
.LBB2_2:
0x45: {  	v7 =	vld [tilespmem:s6+$0x0];
	_ =	sdelay $0x4  }
0x46: {  	v7 =	vsub.s32 v7, v0  }
0x47: {  	vm1 =	vlt.u32 v7, $0x200  }
0x48: {  	v7 =	vsel vm1, v7, v3;
	_ =	sdelay $0x3  }
0x49: {  	v8 =	vor.u32 s11, v2  }
0x4a: {  	[tilespmem:v7+s15+$0x0] =	vst.idx.msk $0xffff, v8  }
0x4b: {  	v7 =	vld [tilespmem:s14+$0x0];
	_ =	sdelay $0x4  }
0x4c: {  	v7 =	vsub.s32 v7, v0  }
0x4d: {  	vm1 =	vlt.u32 v7, $0x200  }
0x4e: {  	p0 =	sne.s32 s11, $0x7F0;
	v7 =	vsel vm1, v7, v3  }
.Ltmp2:
0x4f: {  	_ = 	snop;
	(pc) =	sbr.rel @p0 .LBB2_2-.Ltmp2, $2  }
0x50: {  	_ =	sdelay $0x2  }
0x51: {  	s6 =	sadd.s32 $0x10, s6;
	s11 =	sadd.s32 $0x10, s11;
	s14 =	sadd.s32 $0x10, s14;
	[tilespmem:v7+s15+$0x0] =	vst.idx.msk $0xffff, v8  }
0x52: {  	v7 =	vld [tilespmem:s16+$0x1280];
	_ =	sdelay $0x4  }
0x53: {  	(v2sf) =	vpush v7, $0x0;
	_ =	sdelay $0xe  }
0x54: {  	s6 =	spop (v2sf)  }
0x55: {  	p0 =	slt.s32 s6, $0x100  }
0x56: {  	p1 =	slt.s32 s6, $0xFFFFFFE2;
	s6 =	simm.s32 @!p0 $0x100  }
0x57: {  	s6 =	sadd.s32 $0x1F, s6  }
0x58: {  	s11 =	sand.u32 $0x1F, s6  }
0x59: {  	s14 =	sshra.s32 s6, $0x1F;
	p6 =	sne.s32 s11, $0x0  }
0x5a: {  	s14 =	sshrl.u32 s14, $0x1B;
	p0 =	por !p1, !p6  }
0x5b: {  	s11 =	simm.s32 $0x1;
	s6 =	sadd.s32 s14, s6;
	p0 =	por !p0, !p0  }
0x5c: {  	s6 =	sshra.s32 s6, $0x5;
	s11 =	simm.s32 @!p0 $0x0  }
0x5d: {  	s14 =	ssub.s32 s6, s11  }
0x5e: {  	p0 =	slt.s32 s14, $0x1  }
.Ltmp3:
0x5f: {  	_ = 	snop;
	(pc) =	sbr.rel @p0 .LBB2_5-.Ltmp3, $2  }
0x60: {  	_ =	sdelay $0x2  }
0x61: {  	s6 =	simm.s32 $0x1010;
	s11 =	smov.u32 s10  }
.LBB2_4:
0x62: {  	v8 =	vld [tilespmem:s6+$0xFFFFFFF0];
	_ =	sdelay $0x4  }
0x63: {  	v9 =	vshll.u32 v8, $0x3  }
0x64: {  	v8 =	vand.u32 $0x7, v8;
	v9 =	vand.u32 $0xFFFFFFC0, v9  }
0x65: {  	v8 =	vor.u32 v8, v9  }
0x66: {  	v9 =	vperm.xlane v8, v4;
	_ =	sdelay $0x1  }
0x67: {  	v9 =	vadd.s32 v5, v9;
	_ =	sdelay $0x4  }
0x68: {  	[tilespmem:s18], [sflag:$0x1] =	stream.indirect_vreg.gather [hbm4b:s3+s4], $0x80, v9, vm0, $0xb8;
	[tilespmem:$0x9300] =	vst v63  }
0x69: {  	v8 =	vperm.xlane v8, v6  }
0x6a: {  	[tilespmem:s19], [sflag:$0x1] =	stream.indirect_vreg.gather [hbm4b:s7+s4], $0x80, v9, vm0, $0xb8;
	[tilespmem:$0x9300] =	vst v63  }
0x6b: {  	v8 =	vadd.s32 v5, v8  }
0x6c: {  	[tilespmem:s20], [sflag:$0x1] =	stream.indirect_vreg.gather [hbm4b:s8+s4], $0x80, v9, vm0, $0xb8;
	[tilespmem:$0x9300] =	vst v63  }
0x6d: {  	_ = 	snop  }
0x6e: {  	[tilespmem:s21], [sflag:$0x1] =	stream.indirect_vreg.gather [hbm4b:s9+s4], $0x80, v9, vm0, $0xb8;
	[tilespmem:$0x9300] =	vst v63  }
0x6f: {  	_ = 	snop  }
0x70: {  	[tilespmem:s22], [sflag:$0x1] =	stream.indirect_vreg.gather [hbm4b:s3+s4], $0x80, v8, vm0, $0xb8;
	[tilespmem:$0x9300] =	vst v63  }
0x71: {  	_ = 	snop  }
0x72: {  	[tilespmem:s23], [sflag:$0x1] =	stream.indirect_vreg.gather [hbm4b:s7+s4], $0x80, v8, vm0, $0xb8;
	[tilespmem:$0x9300] =	vst v63  }
0x73: {  	_ = 	snop  }
0x74: {  	[tilespmem:s24], [sflag:$0x1] =	stream.indirect_vreg.gather [hbm4b:s8+s4], $0x80, v8, vm0, $0xb8;
	[tilespmem:$0x9300] =	vst v63  }
0x75: {  	_ = 	snop  }
0x76: {  	[tilespmem:s25], [sflag:$0x1] =	stream.indirect_vreg.gather [hbm4b:s9+s4], $0x80, v8, vm0, $0xb8;
	[tilespmem:$0x9300] =	vst v63  }
0x77: {  	v8 =	vld [tilespmem:s6+$0x0];
	_ =	sdelay $0x4  }
0x78: {  	v63 =	vshll.u32 v8, $0x3  }
0x79: {  	v8 =	vand.u32 $0x7, v8;
	v9 =	vand.u32 $0xFFFFFFC0, v63  }
0x7a: {  	v8 =	vor.u32 v8, v9  }
0x7b: {  	v9 =	vperm.xlane v8, v4;
	_ =	sdelay $0x1  }
0x7c: {  	v9 =	vadd.s32 v5, v9;
	_ =	sdelay $0x4  }
0x7d: {  	[tilespmem:s26], [sflag:$0x1] =	stream.indirect_vreg.gather [hbm4b:s3+s4], $0x80, v9, vm0, $0xb8;
	[tilespmem:$0x9300] =	vst v63  }
0x7e: {  	v8 =	vperm.xlane v8, v6  }
0x7f: {  	[tilespmem:s28], [sflag:$0x1] =	stream.indirect_vreg.gather [hbm4b:s7+s4], $0x80, v9, vm0, $0xb8;
	[tilespmem:$0x9300] =	vst v63  }
0x80: {  	v8 =	vadd.s32 v5, v8  }
0x81: {  	[tilespmem:s29], [sflag:$0x1] =	stream.indirect_vreg.gather [hbm4b:s8+s4], $0x80, v9, vm0, $0xb8;
	[tilespmem:$0x9300] =	vst v63  }
0x82: {  	_ = 	snop  }
0x83: {  	[tilespmem:s30], [sflag:$0x1] =	stream.indirect_vreg.gather [hbm4b:s9+s4], $0x80, v9, vm0, $0xb8;
	[tilespmem:$0x9300] =	vst v63  }
0x84: {  	_ = 	snop  }
0x85: {  	[tilespmem:s31], [sflag:$0x1] =	stream.indirect_vreg.gather [hbm4b:s3+s4], $0x80, v8, vm0, $0xb8;
	[tilespmem:$0x9300] =	vst v63  }
0x86: {  	_ = 	snop  }
0x87: {  	[tilespmem:s0], [sflag:$0x1] =	stream.indirect_vreg.gather [hbm4b:s7+s4], $0x80, v8, vm0, $0xb8;
	[tilespmem:$0x9300] =	vst v63  }
0x88: {  	_ = 	snop  }
0x89: {  	[tilespmem:s5], [sflag:$0x1] =	stream.indirect_vreg.gather [hbm4b:s8+s4], $0x80, v8, vm0, $0xb8;
	[tilespmem:$0x9300] =	vst v63  }
0x8a: {  	_ = 	snop  }
0x8b: {  	[tilespmem:s1], [sflag:$0x1] =	stream.indirect_vreg.gather [hbm4b:s9+s4], $0x80, v8, vm0, $0xb8;
	[tilespmem:$0x9300] =	vst v63  }
0x8c: {  	_ =	swait.ge [sflag:s17], $0x8000  }
0x8d: {  	p0 =	sne.s32 s14, $0x1;
	[sflag:s17] =	ssyncset.done $0x0  }
.Ltmp4:
0x8e: {  	[sflag:s17] =	ssyncadd.s32 $0xFFFF8000;
	(pc) =	sbr.rel @p0 .LBB2_4-.Ltmp4, $4  }
0x8f: {  	[hbm4b:s11+s4] =	stream.linear.scatter [tilespmem:s18], [sflag:$0x2], $0x8000, $0x38;
	[tilespmem:$0x9300] =	vst v63  }
0x90: {  	_ =	swait.ge [sflag:s13], $0x8000  }
0x91: {  	s14 =	sadd.s32 $0xFFFFFFFF, s14;
	[sflag:s13] =	ssyncset.done $0x0  }
0x92: {  	s6 =	sadd.s32 $0x20, s6;
	s11 =	sadd.s32 $0x1000, s11;
	[sflag:s13] =	ssyncadd.s32 $0xFFFF8000  }
.LBB2_5:
0x93: {  	(v2sf) =	vpush v7, $0x1;
	_ =	sdelay $0xe  }
0x94: {  	s6 =	spop (v2sf)  }
0x95: {  	p0 =	slt.s32 s6, $0x100  }
0x96: {  	p1 =	slt.s32 s6, $0xFFFFFFE2;
	s6 =	simm.s32 @!p0 $0x100  }
0x97: {  	s6 =	sadd.s32 $0x1F, s6  }
0x98: {  	s11 =	sand.u32 $0x1F, s6  }
0x99: {  	s14 =	sshra.s32 s6, $0x1F;
	p6 =	sne.s32 s11, $0x0  }
0x9a: {  	s14 =	sshrl.u32 s14, $0x1B;
	p0 =	por !p1, !p6  }
0x9b: {  	s11 =	simm.s32 $0x1;
	s6 =	sadd.s32 s14, s6;
	p0 =	por !p0, !p0  }
0x9c: {  	s6 =	sshra.s32 s6, $0x5;
	s11 =	simm.s32 @!p0 $0x0  }
0x9d: {  	s14 =	ssub.s32 s6, s11  }
0x9e: {  	p0 =	slt.s32 s14, $0x1  }
.Ltmp5:
0x9f: {  	_ = 	snop;
	(pc) =	sbr.rel @p0 .LBB2_7-.Ltmp5, $2  }
0xa0: {  	_ =	sdelay $0x2  }
0xa1: {  	s6 =	simm.s32 $0x1110;
	s11 =	smov.u32 s12  }
.LBB2_6:
0xa2: {  	v7 =	vld [tilespmem:s6+$0xFFFFFFF0];
	_ =	sdelay $0x4  }
0xa3: {  	v8 =	vshll.u32 v7, $0x3  }
0xa4: {  	v7 =	vand.u32 $0x7, v7;
	v8 =	vand.u32 $0xFFFFFFC0, v8  }
0xa5: {  	v7 =	vor.u32 v7, v8  }
0xa6: {  	v8 =	vperm.xlane v7, v4;
	_ =	sdelay $0x1  }
0xa7: {  	v8 =	vadd.s32 v5, v8;
	_ =	sdelay $0x4  }
0xa8: {  	[tilespmem:s18], [sflag:$0x1] =	stream.indirect_vreg.gather [hbm4b:s3+s4], $0x80, v8, vm0, $0xb8;
	[tilespmem:$0x9300] =	vst v63  }
0xa9: {  	v7 =	vperm.xlane v7, v6  }
0xaa: {  	[tilespmem:s19], [sflag:$0x1] =	stream.indirect_vreg.gather [hbm4b:s7+s4], $0x80, v8, vm0, $0xb8;
	[tilespmem:$0x9300] =	vst v63  }
0xab: {  	v7 =	vadd.s32 v5, v7  }
0xac: {  	[tilespmem:s20], [sflag:$0x1] =	stream.indirect_vreg.gather [hbm4b:s8+s4], $0x80, v8, vm0, $0xb8;
	[tilespmem:$0x9300] =	vst v63  }
0xad: {  	_ = 	snop  }
0xae: {  	[tilespmem:s21], [sflag:$0x1] =	stream.indirect_vreg.gather [hbm4b:s9+s4], $0x80, v8, vm0, $0xb8;
	[tilespmem:$0x9300] =	vst v63  }
0xaf: {  	_ = 	snop  }
0xb0: {  	[tilespmem:s22], [sflag:$0x1] =	stream.indirect_vreg.gather [hbm4b:s3+s4], $0x80, v7, vm0, $0xb8;
	[tilespmem:$0x9300] =	vst v63  }
0xb1: {  	_ = 	snop  }
0xb2: {  	[tilespmem:s23], [sflag:$0x1] =	stream.indirect_vreg.gather [hbm4b:s7+s4], $0x80, v7, vm0, $0xb8;
	[tilespmem:$0x9300] =	vst v63  }
0xb3: {  	_ = 	snop  }
0xb4: {  	[tilespmem:s24], [sflag:$0x1] =	stream.indirect_vreg.gather [hbm4b:s8+s4], $0x80, v7, vm0, $0xb8;
	[tilespmem:$0x9300] =	vst v63  }
0xb5: {  	_ = 	snop  }
0xb6: {  	[tilespmem:s25], [sflag:$0x1] =	stream.indirect_vreg.gather [hbm4b:s9+s4], $0x80, v7, vm0, $0xb8;
	[tilespmem:$0x9300] =	vst v63  }
0xb7: {  	v7 =	vld [tilespmem:s6+$0x0];
	_ =	sdelay $0x4  }
0xb8: {  	v8 =	vshll.u32 v7, $0x3  }
0xb9: {  	v7 =	vand.u32 $0x7, v7;
	v8 =	vand.u32 $0xFFFFFFC0, v8  }
0xba: {  	v7 =	vor.u32 v7, v8  }
0xbb: {  	v8 =	vperm.xlane v7, v4;
	_ =	sdelay $0x1  }
0xbc: {  	v8 =	vadd.s32 v5, v8;
	_ =	sdelay $0x4  }
0xbd: {  	[tilespmem:s26], [sflag:$0x1] =	stream.indirect_vreg.gather [hbm4b:s3+s4], $0x80, v8, vm0, $0xb8;
	[tilespmem:$0x9300] =	vst v63  }
0xbe: {  	v7 =	vperm.xlane v7, v6  }
0xbf: {  	[tilespmem:s28], [sflag:$0x1] =	stream.indirect_vreg.gather [hbm4b:s7+s4], $0x80, v8, vm0, $0xb8;
	[tilespmem:$0x9300] =	vst v63  }
0xc0: {  	v7 =	vadd.s32 v5, v7  }
0xc1: {  	[tilespmem:s29], [sflag:$0x1] =	stream.indirect_vreg.gather [hbm4b:s8+s4], $0x80, v8, vm0, $0xb8;
	[tilespmem:$0x9300] =	vst v63  }
0xc2: {  	_ = 	snop  }
0xc3: {  	[tilespmem:s30], [sflag:$0x1] =	stream.indirect_vreg.gather [hbm4b:s9+s4], $0x80, v8, vm0, $0xb8;
	[tilespmem:$0x9300] =	vst v63  }
0xc4: {  	_ = 	snop  }
0xc5: {  	[tilespmem:s31], [sflag:$0x1] =	stream.indirect_vreg.gather [hbm4b:s3+s4], $0x80, v7, vm0, $0xb8;
	[tilespmem:$0x9300] =	vst v63  }
0xc6: {  	_ = 	snop  }
0xc7: {  	[tilespmem:s0], [sflag:$0x1] =	stream.indirect_vreg.gather [hbm4b:s7+s4], $0x80, v7, vm0, $0xb8;
	[tilespmem:$0x9300] =	vst v63  }
0xc8: {  	_ = 	snop  }
0xc9: {  	[tilespmem:s5], [sflag:$0x1] =	stream.indirect_vreg.gather [hbm4b:s8+s4], $0x80, v7, vm0, $0xb8;
	[tilespmem:$0x9300] =	vst v63  }
0xca: {  	_ = 	snop  }
0xcb: {  	[tilespmem:s1], [sflag:$0x1] =	stream.indirect_vreg.gather [hbm4b:s9+s4], $0x80, v7, vm0, $0xb8;
	[tilespmem:$0x9300] =	vst v63  }
0xcc: {  	_ =	swait.ge [sflag:s17], $0x8000  }
0xcd: {  	p0 =	sne.s32 s14, $0x1;
	[sflag:s17] =	ssyncset.done $0x0  }
.Ltmp6:
0xce: {  	[sflag:s17] =	ssyncadd.s32 $0xFFFF8000;
	(pc) =	sbr.rel @p0 .LBB2_6-.Ltmp6, $4  }
0xcf: {  	[hbm4b:s11+s4] =	stream.linear.scatter [tilespmem:s18], [sflag:$0x2], $0x8000, $0x38;
	[tilespmem:$0x9300] =	vst v63  }
0xd0: {  	_ =	swait.ge [sflag:s13], $0x8000  }
0xd1: {  	s14 =	sadd.s32 $0xFFFFFFFF, s14;
	[sflag:s13] =	ssyncset.done $0x0  }
0xd2: {  	s6 =	sadd.s32 $0x20, s6;
	s11 =	sadd.s32 $0x1000, s11;
	[sflag:s13] =	ssyncadd.s32 $0xFFFF8000  }
.Ltmp7:
0xd3: {  	_ = 	snop;
	(pc) =	sbr.rel .LBB2_7-.Ltmp7, $1  }
0xd4: {  	_ =	sdelay $0x3  }
.LBB2_8:
0xd5: {  	_ =	sfence.sel $0x180000  }
0xd6: {  	[bflag:$0x0] =	sbarrier.arrive $0xFFFF  }
0xd7: {  	_ =	strace $0x90000047  }
0xd8: {  	s0 =	stileid.u32;
	[bflag:$0x2] =	sbarrier.arrive $0xFFFF  }
0xd9: {  	p0 =	sne.s32 s0, $0x0;
	s0 =	rddreg [dreg:$0x3]  }
0xda: {  	s0 =	sadd.s32 @!p0 $0x100000, s0  }
0xdb: {  	[sflag:s0] =	ssyncadd.tile.s32 @!p0 $0x1;
	_ =	shalt  }
.Lfunc_end2:
_tile_overlayer_lowered:
.L_overlay_start_2:
0xdc: {  	(tag) =	ssettag $0x2  }
0xdd: {  	s0 =	rddreg [dreg:$0x0];
	s2 =	stileid.u32  }
0xde: {  	s1 =	rddreg [dreg:$0x1];
	p0 =	sne.s32 s2, $0x0  }
0xdf: {  	s3 =	rddreg [dreg:$0x2];
	[bflag:$0x3] =	sbarrier.arrive $0xFFFF;
	s2 =	simm.s32 @!p0 $0x1C02  }
0xe0: {  	[timem:s3], [sflag:s2] =	dma.local @!p0 [hbm:s0], s1  }
0xe1: {  	s0 =	simm.s32 @!p0 $0x2  }
0xe2: {  	_ =	swait.ge @!p0 [sflag:s0], s1  }
0xe3: {  	s1 =	ssub.s32 @!p0 $0x0, s1;
	[sflag:s0] =	ssyncset.done @!p0 $0x0  }
0xe4: {  	[sflag:s0] =	ssyncadd.s32 @!p0 s1  }
0xe5: {  	[bflag:$0x3] =	sbarrier.arrive $0xFFFF  }
0xe6: {  	_ =	shalt  }

// kernel: kernel.9.cloned.1.call-start
scs
__scs_entry_jumppad:
0x0: {  	(pc) =	sbr.rel $0x88, $3  }
0x1: {  	(tag) =	ssettag $0x0;
	lr =	simm.s32 $0x1  }
0x2: {  	[smem:$0x3F9B] =	sst lr;
	_ =	strace $0xD0000000  }
0x3: {  	_ = 	snop  }
0x4: {  	_ = 	snop  }
0x5: {  	_ = 	snop  }
0x6: {  	_ = 	snop  }
0x7: {  	_ = 	snop  }
__scs_overlays_trampoline_lowered:
0x8: {  	[smem:$0x3FAA] =	sst s0  }
0x9: {  	[smem:$0x3FAB] =	sst s1  }
0xa: {  	[smem:$0x3FAC] =	sst s2  }
0xb: {  	[smem:$0x3FAD] =	sst s3  }
0xc: {  	[smem:$0x3FAE] =	sst s4  }
0xd: {  	[smem:$0x3FAF] =	sst s5  }
0xe: {  	[smem:$0x3FB0] =	sst s6  }
0xf: {  	[smem:$0x3FB1] =	sst s7  }
0x10: {  	[smem:$0x3FB2] =	sst s8  }
0x11: {  	[smem:$0x3FB3] =	sst s9;
	s0 =	simm.s32 @!p0 $0x0  }
0x12: {  	s1 =	sld [smem:$0x3F99];
	s0 =	simm.s32 @p0 $0x1  }
0x13: {  	[smem:$0x3FB4] =	sst s0;
	s0 =	simm.s32 @!p1 $0x0  }
0x14: {  	s2 =	sld [smem:$0x3F98];
	s0 =	simm.s32 @p1 $0x1  }
0x15: {  	[smem:$0x3FB5] =	sst s0;
	s0 =	simm.s32 @!p2 $0x0  }
0x16: {  	s3 =	sld [smem:$0x3FDB];
	s0 =	simm.s32 @p2 $0x1  }
0x17: {  	s4 =	simm.s32 $0x1BF5;
	[smem:$0x3FB7] =	sst s0  }
0x18: {  	s0 =	sld [smem:$0x3F9A];
	_ =	swait.ge [sflag:s4], $0x0  }
0x19: {  	s7 =	sld [smem:$0x3F9B]  }
0x1a: {  	s8 =	sadd.s32 $0xFFFFE003, lr  }
0x1b: {  	s9 =	sadd.s32 $0xFFFFFEF7, lr;
	s5 =	simm.s32 $0xFFFFFFFF;
	p2 =	slt.u32 s8, $0xFFFFF086  }
0x1c: {  	p1 =	slt.u32 s9, $0xF7A;
	s5 =	simm.s32 @!p2 $0x0  }
0x1d: {  	s5 =	simm.s32 @p1 $0x1;
	p0 =	seq.s32 s7, s2  }
0x1e: {  	s7 =	smul.u32 @!p0 $0xF7A, s2;
	p2 =	seq.s32 @!p0 s5, $0x0  }
0x1f: {  	s9 =	smul.u32 $0xF7A, s1;
	s8 =	simm.s32 @!p0 $0x1BF5;
	p2 =	por !p2, p0  }
0x20: {  	[sflag:s8] =	ssyncset.s32 @!p0 $0xFFFFF086;
	s6 =	sadd.s32 @!p0 s3, s7;
	s7 =	simm.s32 @!p0 $0x108  }
0x21: {  	s3 =	sadd.s32 s3, s9;
	s6 =	sadd.s32 @!p0 $0x88, s6;
	s7 =	simm.s32 @p2 $0x1082  }
0x22: {  	[simem:s7], [sflag:s8] =	dma.local @!p0 [hbm:s6], $0xF7A  }
0x23: {  	s9 =	sor.u32 $0xD0000000, s2;
	s6 =	simm.s32 $0x108;
	_ =	swait.ge @!p0 [sflag:s8], $0x0  }
0x24: {  	s3 =	sadd.s32 $0x88, s3;
	s6 =	simm.s32 @!p1 $0x1082;
	[sflag:s4] =	ssyncset.s32 $0xFFFFF086  }
0x25: {  	[simem:s6], [sflag:s4] =	dma.local [hbm:s3], $0xF7A  }
0x26: {  	[smem:$0x3F9B] =	sst s1;
	(tag) =	ssettag s2;
	_ =	strace s9  }
0x27: {  	s1 =	sld [smem:$0x3FAB]  }
0x28: {  	s2 =	sld [smem:$0x3FAC]  }
0x29: {  	s4 =	sld [smem:$0x3FAE]  }
0x2a: {  	p0 =	seq.s32 s5, $0x0;
	s5 =	sld [smem:$0x3FAF]  }
0x2b: {  	s6 =	sld [smem:$0x3FB0]  }
0x2c: {  	s7 =	sld [smem:$0x3FB1]  }
0x2d: {  	s3 =	simm.s32 $0x108;
	s8 =	sld [smem:$0x3FB2]  }
0x2e: {  	s3 =	simm.s32 @!p0 $0x1082;
	s9 =	sld [smem:$0x3FB3]  }
0x2f: {  	lr =	sadd.s32 s0, s3;
	s0 =	sld [smem:$0x3FAA]  }
0x30: {  	s3 =	sld [smem:$0x3FAD]  }
0x31: {  	[smem:$0x3FB6] =	sst s10  }
0x32: {  	s10 =	sld [smem:$0x3FB4];
	_ =	sdelay $0x3  }
0x33: {  	p0 =	seq.s32 s10, $0x1;
	s10 =	sld [smem:$0x3FB6];
	_ =	sdelay $0x3  }
0x34: {  	[smem:$0x3FB6] =	sst s10  }
0x35: {  	s10 =	sld [smem:$0x3FB5];
	_ =	sdelay $0x3  }
0x36: {  	p1 =	seq.s32 s10, $0x1;
	s10 =	sld [smem:$0x3FB6];
	_ =	sdelay $0x3  }
0x37: {  	[smem:$0x3FB6] =	sst s10  }
0x38: {  	s10 =	sld [smem:$0x3FB7]  }
0x39: {  	_ = 	snop;
	(pc) =	sbr.ind lr, $3  }
0x3a: {  	_ = 	snop  }
0x3b: {  	_ = 	snop  }
0x3c: {  	p2 =	seq.s32 s10, $0x1;
	s10 =	sld [smem:$0x3FB6]  }
0x3d: {  	_ =	shalt  }
0x3e: {  	_ =	shalt  }
0x3f: {  	_ =	shalt  }
0x40: {  	_ =	shalt  }
0x41: {  	_ =	shalt  }
0x42: {  	_ =	shalt  }
0x43: {  	_ =	shalt  }
0x44: {  	_ =	shalt  }
0x45: {  	_ =	shalt  }
0x46: {  	_ =	shalt  }
0x47: {  	_ =	shalt  }
0x48: {  	_ =	shalt  }
0x49: {  	_ =	shalt  }
0x4a: {  	_ =	shalt  }
0x4b: {  	_ =	shalt  }
0x4c: {  	_ =	shalt  }
0x4d: {  	_ =	shalt  }
0x4e: {  	_ =	shalt  }
0x4f: {  	_ =	shalt  }
0x50: {  	_ =	shalt  }
0x51: {  	_ =	shalt  }
0x52: {  	_ =	shalt  }
0x53: {  	_ =	shalt  }
0x54: {  	_ =	shalt  }
0x55: {  	_ =	shalt  }
0x56: {  	_ =	shalt  }
0x57: {  	_ =	shalt  }
0x58: {  	_ =	shalt  }
0x59: {  	_ =	shalt  }
0x5a: {  	_ =	shalt  }
0x5b: {  	_ =	shalt  }
0x5c: {  	_ =	shalt  }
0x5d: {  	_ =	shalt  }
0x5e: {  	_ =	shalt  }
0x5f: {  	_ =	shalt  }
0x60: {  	_ =	shalt  }
0x61: {  	_ =	shalt  }
0x62: {  	_ =	shalt  }
0x63: {  	_ =	shalt  }
0x64: {  	_ =	shalt  }
0x65: {  	_ =	shalt  }
0x66: {  	_ =	shalt  }
0x67: {  	_ =	shalt  }
0x68: {  	_ =	shalt  }
0x69: {  	_ =	shalt  }
0x6a: {  	_ =	shalt  }
0x6b: {  	_ =	shalt  }
0x6c: {  	_ =	shalt  }
0x6d: {  	_ =	shalt  }
0x6e: {  	_ =	shalt  }
0x6f: {  	_ =	shalt  }
0x70: {  	_ =	shalt  }
0x71: {  	_ =	shalt  }
0x72: {  	_ =	shalt  }
0x73: {  	_ =	shalt  }
0x74: {  	_ =	shalt  }
0x75: {  	_ =	shalt  }
0x76: {  	_ =	shalt  }
0x77: {  	_ =	shalt  }
0x78: {  	_ =	shalt  }
0x79: {  	_ =	shalt  }
0x7a: {  	_ =	shalt  }
0x7b: {  	_ =	shalt  }
0x7c: {  	_ =	shalt  }
0x7d: {  	_ =	shalt  }
0x7e: {  	_ =	shalt  }
0x7f: {  	_ =	shalt  }
0x80: {  	_ =	shalt  }
0x81: {  	_ =	shalt  }
0x82: {  	_ =	shalt  }
0x83: {  	_ =	shalt  }
0x84: {  	_ =	shalt  }
0x85: {  	_ =	shalt  }
0x86: {  	_ =	shalt  }
0x87: {  	_ =	shalt  }
.Lfunc_end0:
.L_simem_size_0:
called_computation.1_lowered:
.L_overlay_start_0:
0x88: {  	s2 =	sld [smem:$0x3FD9]  }
0x89: {  	s3 =	sld [smem:$0x3FFE];
	_ =	sdelay $0x1  }
0x8a: {  	s1 =	srdreg.scid  }
0x8b: {  	s0 =	sand.u32 $0x1, s1  }
0x8c: {  	s17 =	sshll.u32 s0, $0xA;
	s2 =	sadd.s32 s3, s2  }
0x8d: {  	s2 =	sadd.s32 s2, s17  }
0x8e: {  	[smem:$0x3FC2] =	sst s2  }
0x8f: {  	_ = 	snop  }
0x90: {  	s2 =	sld [smem:$0x3FD0];
	(tm) =	ssettm $0x1  }
0x91: {  	s18 =	sld [smem:$0x3FFB];
	_ =	sdelay $0x3  }
0x92: {  	_ =	strace s18  }
0x93: {  	s3 =	sld [smem:$0x3FFC];
	_ =	sdelay $0x3  }
0x94: {  	_ =	strace s3  }
0x95: {  	s3 =	sld [smem:$0x3FFD];
	_ =	sdelay $0x3  }
0x96: {  	_ =	strace s3  }
0x97: {  	_ =	strace $0x8FFFFFFF  }
0x98: {  	s19 =	sld [smem:$0x3FDB];
	_ =	sdelay $0x1  }
0x99: {  	s4 =	simm.s32 $_scs_section_size  }
0x9a: {  	s5 =	simm.s32 $_size__tile_overlayer_lowered;
	s6 =	simm.s32 $_tile_overlayer_lowered  }
0x9b: {  	s22 =	simm.s32 $0x1BFF;
	s21 =	sshll.u32 s6, $0x1;
	s3 =	sadd.s32 s4, s19  }
0x9c: {  	s7 =	simm.s32 $0x0;
	s20 =	sshll.u32 s5, $0x1;
	s5 =	sadd.s32 s21, s3  }
0x9d: {  	[timem:s7], [sflag:s22] =	dma.local [hbm:s5], s20  }
0x9e: {  	_ =	swait.ge [sflag:s22], s20  }
0x9f: {  	s4 =	ssub.s32 $0x0, s20;
	[sflag:s22] =	ssyncset.done $0x0  }
0xa0: {  	[sflag:s22] =	ssyncadd.s32 s4;
	_ =	sdelay $0x1  }
0xa1: {  	s23 =	simm.s32 $0x1B8B  }
0xa2: {  	_ =	swait.ge [sflag:s23], $0x1  }
0xa3: {  	[sflag:s23] =	ssyncset.done $0x0  }
0xa4: {  	s25 =	simm.s32 $0x1B8E;
	s24 =	sld [smem:$0x3FFE];
	[sflag:s23] =	ssyncadd.s32 $0xFFFFFFFF  }
0xa5: {  	s26 =	simm.s32 $execute0_lowered;
	[smem:$0x3FD2] =	sst s25  }
0xa6: {  	s5 =	sshll.u32 s26, $0x1;
	_ =	strace $0x80000049;
	[dreg:$0x1] =	wrdreg $0xFFFFFFFF  }
0xa7: {  	s28 =	simm.s32 $_size_execute0_lowered;
	s3 =	sadd.s32 s3, s5;
	[dreg:$0x0] =	wrdreg $0x0  }
0xa8: {  	s5 =	sshll.u32 s28, $0x1;
	[dreg:$0x2] =	wrdreg s3  }
0xa9: {  	[dreg:$0x3] =	wrdreg s5  }
0xaa: {  	[dreg:$0x4] =	wrdreg $0xC0  }
0xab: {  	_ =	task [dreg:s7], $0x5FFFF  }
0xac: {  	[dreg:$0x1] =	wrdreg $0xFFFFFFFF  }
0xad: {  	[dreg:$0x0] =	wrdreg $0x60  }
0xae: {  	[dreg:$0x2] =	wrdreg s24  }
0xaf: {  	[dreg:$0x3] =	wrdreg s2  }
0xb0: {  	[dreg:$0x4] =	wrdreg $0x9  }
0xb1: {  	_ =	task.clear_ibuf [dreg:s7], $0x5FFFF;
	_ =	strace $0x90000049  }
0xb2: {  	s29 =	simm.s32 $0x9;
	_ =	strace $0x8000004B  }
0xb3: {  	_ =	swait.ge [sflag:s29], $0x1  }
0xb4: {  	[sflag:s29] =	ssyncadd.s32 $0xFFFFFFFF  }
0xb5: {  	_ =	strace $0x9000004B  }
0xb6: {  	_ =	sfence  }
0xb7: {  	s30 =	sld [smem:$0x0];
	_ =	sdelay $0x2  }
0xb8: {  	s31 =	sshll.u32 s1, $0xD;
	s1 =	sshrl.u32 s1, $0x2  }
0xb9: {  	s3 =	sand.u32 $0x4000, s31;
	s1 =	sadd.s32 s1, s30  }
0xba: {  	s0 =	sor.u32 s3, s0;
	s1 =	sshll.u32 s1, $0x11  }
0xbb: {  	s0 =	sor.u32 s1, s0  }
0xbc: {  	s0 =	sadd.s32 $0x8F2B, s0  }
0xbd: {  	[sflag:s0] =	ssyncadd.remote.s32 $0x1  }
0xbe: {  	_ =	sfence.sel $0xFFFF  }
0xbf: {  	[dreg:$0x0] =	wrdreg $0xFFFFFFFF;
	(pc) =	sbr.abs _section_cstart, $3  }
0xc0: {  	[dreg:$0x1] =	wrdreg $0xFFFFFFFF  }
0xc1: {  	_ =	task.clear_ibuf [dreg:s7], $0x2FFFF;
	_ =	strace $0x9FFFFFFF  }
0xc2: {  	(tm) =	ssettm $0x7FFFFFFF  }
0xc3: {  	_ =	shalt  }
tec
execute0_lowered:
.L_overlay_start_1:
0x0: {  	(tag) =	ssettag $0x1  }
0x1: {  	s0 =	rddreg [dreg:$0x0]  }
0x2: {  	s2 =	rddreg [dreg:$0x1]  }
0x3: {  	s1 =	simm.s32 $0x0;
	s5 =	srdreg.scid;
	s8 =	stileid.u32  }
0x4: {  	s15 =	simm.s32 $0xB200;
	s16 =	simm.s32 $0xBA00;
	s28 =	simm.s32 $0xEA00  }
0x5: {  	s29 =	simm.s32 $0xF200;
	s30 =	simm.s32 $0xFA00;
	[smem:$0x7FF] =	sst s1  }
0x6: {  	s31 =	simm.s32 $0x1;
	s3 =	sadd.s32 $0x200C00, s0;
	s4 =	sadd.s32 $0x200400, s0  }
0x7: {  	s6 =	sadd.s32 $0x200600, s0;
	s5 =	sand.u32 $0x1, s5;
	s8 =	sshll.u32 s8, $0x7  }
0x8: {  	s11 =	sadd.s32 $0x200800, s0;
	s7 =	ssub.s32 $0x2, s5;
	s5 =	sshll.u32 s5, $0x6  }
0x9: {  	s12 =	sadd.s32 $0x200A00, s0;
	s10 =	sadd.s32 $0x200F00, s0;
	s5 =	sor.u32 s5, s8  }
0xa: {  	_ =	strace $0x8000004A;
	s9 =	sshrl.u32 s7, $0x1;
	s8 =	sshrl.u32 s5, $0x3  }
0xb: {  	s7 =	ssub.s32 s7, s9;
	s13 =	sor.u32 $0x20, s5;
	s17 =	sadd.s32 s4, s8  }
0xc: {  	s9 =	sadd.s32 $0x200E00, s0;
	s18 =	sadd.s32 s6, s8;
	[dreg:$0x3] =	wrdreg s17  }
0xd: {  	s5 =	sshll.u32 s5, $0x7;
	s19 =	sadd.s32 s11, s8;
	[dreg:$0x4] =	wrdreg s18  }
0xe: {  	s8 =	sadd.s32 s12, s8;
	s14 =	sshrl.u32 s13, $0x3;
	[dreg:$0x5] =	wrdreg s19  }
0xf: {  	s20 =	sadd.s32 s2, s5;
	s24 =	sshll.u32 s13, $0x7;
	[dreg:$0x6] =	wrdreg s8  }
0x10: {  	s26 =	smax.u32 s7, $0x1;
	s8 =	sadd.s32 $0x200D00, s0;
	[dreg:$0x7] =	wrdreg s20  }
0x11: {  	s21 =	sadd.s32 s4, s14;
	s22 =	sadd.s32 s6, s14;
	s23 =	sadd.s32 s11, s14  }
0x12: {  	s25 =	sadd.s32 s12, s14;
	s0 =	sadd.s32 s2, s24;
	[dreg:$0xd] =	wrdreg s26  }
0x13: {  	s18 =	simm.s32 $0x3;
	s19 =	simm.s32 $0x80;
	[dreg:$0x8] =	wrdreg s21  }
0x14: {  	s14 =	simm.s32 $0x9A00;
	s20 =	simm.s32 $0xA200;
	[dreg:$0x9] =	wrdreg s22  }
0x15: {  	s17 =	simm.s32 $0xC200;
	s24 =	simm.s32 $0xD200;
	[dreg:$0xa] =	wrdreg s23  }
0x16: {  	v2 =	vlaneseq.u32;
	s26 =	simm.s32 $0xE200;
	s2 =	simm.s32 $0x0;
	[dreg:$0xb] =	wrdreg s25  }
0x17: {  	vm0 =	vmmov $0xffff;
	v1 =	vshrl.u32 v2, $0x3;
	[dreg:$0xc] =	wrdreg s0;
	s22 =	simm.s32 $0x200;
	s21 =	simm.s32 $0xAA00  }
0x18: {  	v0 =	vand.u32 $0x7, v2;
	v2 =	vor.u32 $0x8, v2;
	v1 =	vmul.u32 $0x8, v1;
	s23 =	simm.s32 $0xCA00;
	s25 =	simm.s32 $0xDA00;
	s0 =	simm.s32 $0x2  }
.LBB2_1:
0x19: {  	s4 =	rddreg [dreg:$0x3]  }
0x1a: {  	[tilespmem:s1], [sflag:$0x3] =	stream.linear.gather [hbm4b:s4+s1], $0x20, $0x38;
	[tilespmem:$0x10200] =	vst v63  }
0x1b: {  	_ =	swait.ge [sflag:s18], $0x20  }
0x1c: {  	[sflag:s18] =	ssyncset.done $0x0  }
0x1d: {  	s7 =	rddreg [dreg:$0x4];
	[sflag:s18] =	ssyncadd.s32 $0xFFFFFFE0  }
0x1e: {  	[tilespmem:s19], [sflag:$0x3] =	stream.linear.gather [hbm4b:s7+s1], $0x20, $0x38;
	[tilespmem:$0x10200] =	vst v63  }
0x1f: {  	_ =	swait.ge [sflag:s18], $0x20  }
0x20: {  	[sflag:s18] =	ssyncset.done $0x0  }
0x21: {  	s5 =	simm.s32 $0x100;
	s11 =	rddreg [dreg:$0x5];
	[sflag:s18] =	ssyncadd.s32 $0xFFFFFFE0  }
0x22: {  	[tilespmem:s5], [sflag:$0x3] =	stream.linear.gather [hbm4b:s11+s1], $0x20, $0x38;
	[tilespmem:$0x10200] =	vst v63  }
0x23: {  	_ =	swait.ge [sflag:s18], $0x20  }
0x24: {  	[sflag:s18] =	ssyncset.done $0x0  }
0x25: {  	s13 =	simm.s32 $0x180;
	s12 =	rddreg [dreg:$0x6];
	[sflag:s18] =	ssyncadd.s32 $0xFFFFFFE0  }
0x26: {  	[tilespmem:s13], [sflag:$0x3] =	stream.linear.gather [hbm4b:s12+s1], $0x20, $0x38;
	[tilespmem:$0x10200] =	vst v63  }
0x27: {  	_ =	swait.ge [sflag:s18], $0x20  }
0x28: {  	[sflag:s18] =	ssyncset.done $0x0  }
0x29: {  	[sflag:s18] =	ssyncadd.s32 $0xFFFFFFE0  }
0x2a: {  	v3 =	vld [tilespmem:$0x0];
	_ =	sdelay $0x4  }
0x2b: {  	v4 =	vshll.u32 v3, $0x3  }
0x2c: {  	v3 =	vand.u32 $0x7, v3;
	v4 =	vand.u32 $0xFFFFFFC0, v4  }
0x2d: {  	v3 =	vor.u32 v3, v4  }
0x2e: {  	v4 =	vperm.xlane v3, v0;
	_ =	sdelay $0x1  }
0x2f: {  	v4 =	vadd.s32 v1, v4;
	_ =	sdelay $0x4  }
0x30: {  	[tilespmem:s22], [sflag:$0x1] =	stream.indirect_vreg.gather [hbm4b:s3+s1], $0x80, v4, vm0, $0xb8;
	[tilespmem:$0x10200] =	vst v63  }
0x31: {  	s5 =	simm.s32 $0xA00;
	v3 =	vperm.xlane v3, v2  }
0x32: {  	[tilespmem:s5], [sflag:$0x1] =	stream.indirect_vreg.gather [hbm4b:s8+s1], $0x80, v4, vm0, $0xb8;
	[tilespmem:$0x10200] =	vst v63  }
0x33: {  	s6 =	simm.s32 $0x1200;
	v3 =	vadd.s32 v1, v3  }
0x34: {  	[tilespmem:s6], [sflag:$0x1] =	stream.indirect_vreg.gather [hbm4b:s9+s1], $0x80, v4, vm0, $0xb8;
	[tilespmem:$0x10200] =	vst v63  }
0x35: {  	s7 =	simm.s32 $0x1A00  }
0x36: {  	[tilespmem:s7], [sflag:$0x1] =	stream.indirect_vreg.gather [hbm4b:s10+s1], $0x80, v4, vm0, $0xb8;
	[tilespmem:$0x10200] =	vst v63  }
0x37: {  	s11 =	simm.s32 $0x2200  }
0x38: {  	[tilespmem:s11], [sflag:$0x1] =	stream.indirect_vreg.gather [hbm4b:s3+s1], $0x80, v3, vm0, $0xb8;
	[tilespmem:$0x10200] =	vst v63  }
0x39: {  	s12 =	simm.s32 $0x2A00  }
0x3a: {  	[tilespmem:s12], [sflag:$0x1] =	stream.indirect_vreg.gather [hbm4b:s8+s1], $0x80, v3, vm0, $0xb8;
	[tilespmem:$0x10200] =	vst v63  }
0x3b: {  	s13 =	simm.s32 $0x3200  }
0x3c: {  	[tilespmem:s13], [sflag:$0x1] =	stream.indirect_vreg.gather [hbm4b:s9+s1], $0x80, v3, vm0, $0xb8;
	[tilespmem:$0x10200] =	vst v63  }
0x3d: {  	s5 =	simm.s32 $0x3A00  }
0x3e: {  	[tilespmem:s5], [sflag:$0x1] =	stream.indirect_vreg.gather [hbm4b:s10+s1], $0x80, v3, vm0, $0xb8;
	[tilespmem:$0x10200] =	vst v63  }
0x3f: {  	v3 =	vld [tilespmem:$0x10];
	_ =	sdelay $0x4  }
0x40: {  	v61 =	vshll.u32 v3, $0x3  }
0x41: {  	v3 =	vand.u32 $0x7, v3;
	v4 =	vand.u32 $0xFFFFFFC0, v61  }
0x42: {  	v3 =	vor.u32 v3, v4  }
0x43: {  	v4 =	vperm.xlane v3, v0;
	_ =	sdelay $0x1  }
0x44: {  	v4 =	vadd.s32 v1, v4;
	_ =	sdelay $0x3  }
0x45: {  	s6 =	simm.s32 $0x4200  }
0x46: {  	[tilespmem:s6], [sflag:$0x1] =	stream.indirect_vreg.gather [hbm4b:s3+s1], $0x80, v4, vm0, $0xb8;
	[tilespmem:$0x10200] =	vst v63  }
0x47: {  	s7 =	simm.s32 $0x4A00;
	v3 =	vperm.xlane v3, v2  }
0x48: {  	[tilespmem:s7], [sflag:$0x1] =	stream.indirect_vreg.gather [hbm4b:s8+s1], $0x80, v4, vm0, $0xb8;
	[tilespmem:$0x10200] =	vst v63  }
0x49: {  	s11 =	simm.s32 $0x5200;
	v3 =	vadd.s32 v1, v3  }
0x4a: {  	[tilespmem:s11], [sflag:$0x1] =	stream.indirect_vreg.gather [hbm4b:s9+s1], $0x80, v4, vm0, $0xb8;
	[tilespmem:$0x10200] =	vst v63  }
0x4b: {  	s12 =	simm.s32 $0x5A00  }
0x4c: {  	[tilespmem:s12], [sflag:$0x1] =	stream.indirect_vreg.gather [hbm4b:s10+s1], $0x80, v4, vm0, $0xb8;
	[tilespmem:$0x10200] =	vst v63  }
0x4d: {  	s13 =	simm.s32 $0x6200  }
0x4e: {  	[tilespmem:s13], [sflag:$0x1] =	stream.indirect_vreg.gather [hbm4b:s3+s1], $0x80, v3, vm0, $0xb8;
	[tilespmem:$0x10200] =	vst v63  }
0x4f: {  	s5 =	simm.s32 $0x6A00  }
0x50: {  	[tilespmem:s5], [sflag:$0x1] =	stream.indirect_vreg.gather [hbm4b:s8+s1], $0x80, v3, vm0, $0xb8;
	[tilespmem:$0x10200] =	vst v63  }
0x51: {  	s6 =	simm.s32 $0x7200  }
0x52: {  	[tilespmem:s6], [sflag:$0x1] =	stream.indirect_vreg.gather [hbm4b:s9+s1], $0x80, v3, vm0, $0xb8;
	[tilespmem:$0x10200] =	vst v63  }
0x53: {  	s7 =	simm.s32 $0x7A00  }
0x54: {  	[tilespmem:s7], [sflag:$0x1] =	stream.indirect_vreg.gather [hbm4b:s10+s1], $0x80, v3, vm0, $0xb8;
	[tilespmem:$0x10200] =	vst v63  }
0x55: {  	v3 =	vld [tilespmem:$0x80];
	_ =	sdelay $0x4  }
0x56: {  	v62 =	vshll.u32 v3, $0x3  }
0x57: {  	v3 =	vand.u32 $0x7, v3;
	v4 =	vand.u32 $0xFFFFFFC0, v62  }
0x58: {  	v3 =	vor.u32 v3, v4  }
0x59: {  	v4 =	vperm.xlane v3, v0;
	_ =	sdelay $0x1  }
0x5a: {  	v4 =	vadd.s32 v1, v4;
	_ =	sdelay $0x3  }
0x5b: {  	s11 =	simm.s32 $0x8200  }
0x5c: {  	[tilespmem:s11], [sflag:$0x2] =	stream.indirect_vreg.gather [hbm4b:s3+s1], $0x80, v4, vm0, $0xb8;
	[tilespmem:$0x10200] =	vst v63  }
0x5d: {  	s12 =	simm.s32 $0x8A00;
	v3 =	vperm.xlane v3, v2  }
0x5e: {  	[tilespmem:s12], [sflag:$0x2] =	stream.indirect_vreg.gather [hbm4b:s8+s1], $0x80, v4, vm0, $0xb8;
	[tilespmem:$0x10200] =	vst v63  }
0x5f: {  	s13 =	simm.s32 $0x9200;
	v3 =	vadd.s32 v1, v3  }
0x60: {  	[tilespmem:s13], [sflag:$0x2] =	stream.indirect_vreg.gather [hbm4b:s9+s1], $0x80, v4, vm0, $0xb8;
	[tilespmem:$0x10200] =	vst v63  }
0x61: {  	_ = 	snop  }
0x62: {  	[tilespmem:s14], [sflag:$0x2] =	stream.indirect_vreg.gather [hbm4b:s10+s1], $0x80, v4, vm0, $0xb8;
	[tilespmem:$0x10200] =	vst v63  }
0x63: {  	_ = 	snop  }
0x64: {  	[tilespmem:s20], [sflag:$0x2] =	stream.indirect_vreg.gather [hbm4b:s3+s1], $0x80, v3, vm0, $0xb8;
	[tilespmem:$0x10200] =	vst v63  }
0x65: {  	_ = 	snop  }
0x66: {  	[tilespmem:s21], [sflag:$0x2] =	stream.indirect_vreg.gather [hbm4b:s8+s1], $0x80, v3, vm0, $0xb8;
	[tilespmem:$0x10200] =	vst v63  }
0x67: {  	_ = 	snop  }
0x68: {  	[tilespmem:s15], [sflag:$0x2] =	stream.indirect_vreg.gather [hbm4b:s9+s1], $0x80, v3, vm0, $0xb8;
	[tilespmem:$0x10200] =	vst v63  }
0x69: {  	_ = 	snop  }
0x6a: {  	[tilespmem:s16], [sflag:$0x2] =	stream.indirect_vreg.gather [hbm4b:s10+s1], $0x80, v3, vm0, $0xb8;
	[tilespmem:$0x10200] =	vst v63  }
0x6b: {  	v3 =	vld [tilespmem:$0x90];
	_ =	sdelay $0x4  }
0x6c: {  	v63 =	vshll.u32 v3, $0x3  }
0x6d: {  	v3 =	vand.u32 $0x7, v3;
	v4 =	vand.u32 $0xFFFFFFC0, v63  }
0x6e: {  	v3 =	vor.u32 v3, v4  }
0x6f: {  	v4 =	vperm.xlane v3, v0;
	_ =	sdelay $0x1  }
0x70: {  	v4 =	vadd.s32 v1, v4;
	_ =	sdelay $0x4  }
0x71: {  	[tilespmem:s17], [sflag:$0x2] =	stream.indirect_vreg.gather [hbm4b:s3+s1], $0x80, v4, vm0, $0xb8;
	[tilespmem:$0x10200] =	vst v63  }
0x72: {  	v3 =	vperm.xlane v3, v2  }
0x73: {  	[tilespmem:s23], [sflag:$0x2] =	stream.indirect_vreg.gather [hbm4b:s8+s1], $0x80, v4, vm0, $0xb8;
	[tilespmem:$0x10200] =	vst v63  }
0x74: {  	v3 =	vadd.s32 v1, v3  }
0x75: {  	[tilespmem:s24], [sflag:$0x2] =	stream.indirect_vreg.gather [hbm4b:s9+s1], $0x80, v4, vm0, $0xb8;
	[tilespmem:$0x10200] =	vst v63  }
0x76: {  	_ = 	snop  }
0x77: {  	[tilespmem:s25], [sflag:$0x2] =	stream.indirect_vreg.gather [hbm4b:s10+s1], $0x80, v4, vm0, $0xb8;
	[tilespmem:$0x10200] =	vst v63  }
0x78: {  	_ = 	snop  }
0x79: {  	[tilespmem:s26], [sflag:$0x2] =	stream.indirect_vreg.gather [hbm4b:s3+s1], $0x80, v3, vm0, $0xb8;
	[tilespmem:$0x10200] =	vst v63  }
0x7a: {  	_ = 	snop  }
0x7b: {  	[tilespmem:s28], [sflag:$0x2] =	stream.indirect_vreg.gather [hbm4b:s8+s1], $0x80, v3, vm0, $0xb8;
	[tilespmem:$0x10200] =	vst v63  }
0x7c: {  	_ = 	snop  }
0x7d: {  	[tilespmem:s29], [sflag:$0x2] =	stream.indirect_vreg.gather [hbm4b:s9+s1], $0x80, v3, vm0, $0xb8;
	[tilespmem:$0x10200] =	vst v63  }
0x7e: {  	_ = 	snop  }
0x7f: {  	[tilespmem:s30], [sflag:$0x2] =	stream.indirect_vreg.gather [hbm4b:s10+s1], $0x80, v3, vm0, $0xb8;
	[tilespmem:$0x10200] =	vst v63  }
0x80: {  	_ =	swait.ge [sflag:s31], $0x8000  }
0x81: {  	[sflag:s31] =	ssyncset.done $0x0  }
0x82: {  	[sflag:s31] =	ssyncadd.s32 $0xFFFF8000  }
0x83: {  	_ =	swait.ge [sflag:s0], $0x8000  }
0x84: {  	[sflag:s0] =	ssyncset.done $0x0  }
0x85: {  	s4 =	simm.s32 $0x0;
	[sflag:s0] =	ssyncadd.s32 $0xFFFF8000  }
.LBB2_2:
0x86: {  	s5 =	sshll.u32 s4, $0xA;
	s6 =	sshll.u32 s4, $0x7  }
0x87: {  	s7 =	simm.s32 $0x0;
	s5 =	sand.u32 $0x6000, s5;
	s6 =	sand.u32 $0x380, s6  }
0x88: {  	s13 =	sand.u32 $0x1C00, s7;
	s5 =	sor.u32 s5, s6  }
0x89: {  	v3 =	vld.msk [tilespmem:s4+$0x100 ss:$0x0], $0xffff;
	s7 =	sand.u32 $0x70, s7;
	s6 =	sor.u32 s13, s5  }
0x8a: {  	v4 =	vld.msk [tilespmem:s4+$0x180 ss:$0x0], $0xffff;
	s6 =	sor.u32 s7, s6  }
0x8b: {  	v5 =	vld [tilespmem:s6+$0x8200]  }
0x8c: {  	v6 =	vld [tilespmem:s6+$0x200];
	_ =	sdelay $0x4  }
0x8d: {  	s7 =	simm.s32 $0x80;
	v6 =	vmul.f32 v6, v3;
	v5 =	vmul.f32 v5, v4  }
0x8e: {  	s11 =	simm.s32 $0x10;
	s13 =	sand.u32 $0x1C00, s7  }
0x8f: {  	s12 =	sand.u32 $0x70, s11;
	s11 =	simm.s32 $0x20;
	s13 =	sor.u32 s13, s5;
	v5 =	vadd.f32 v5, v6  }
.LBB2_3:
0x90: {  	p0 =	sne.s32 s11, $0x3F0;
	s12 =	sor.u32 s12, s13  }
0x91: {  	v6 =	vld [tilespmem:s12+$0x8200];
	[tilespmem:s6+$0x200] =	vst v5;
	s6 =	smov.u32 s12  }
0x92: {  	v5 =	vld [tilespmem:s6+$0x200];
	_ =	sdelay $0x2  }
.Ltmp0:
0x93: {  	(pc) =	sbr.rel @p0 .LBB2_3-.Ltmp0, $4  }
0x94: {  	_ = 	snop  }
0x95: {  	s7 =	sadd.s32 $0x80, s7;
	v6 =	vmul.f32 v6, v4;
	v5 =	vmul.f32 v5, v3  }
0x96: {  	s13 =	sand.u32 $0x1C00, s7  }
0x97: {  	s12 =	sand.u32 $0x70, s11;
	s11 =	sadd.s32 $0x10, s11;
	s13 =	sor.u32 s13, s5;
	v5 =	vadd.f32 v6, v5  }
0x98: {  	s5 =	sor.u32 s12, s13  }
0x99: {  	v6 =	vld [tilespmem:s5+$0x8200];
	[tilespmem:s6+$0x200] =	vst v5  }
0x9a: {  	v5 =	vld [tilespmem:s5+$0x200];
	_ =	sdelay $0x2  }
0x9b: {  	s4 =	sadd.s32 $0x1, s4  }
0x9c: {  	p0 =	sne.s32 s4, $0x20  }
.Ltmp1:
0x9d: {  	v4 =	vmul.f32 v6, v4;
	v3 =	vmul.f32 v5, v3;
	(pc) =	sbr.rel @p0 .LBB2_2-.Ltmp1, $3  }
0x9e: {  	_ = 	snop  }
0x9f: {  	v3 =	vadd.f32 v4, v3;
	_ =	sdelay $0x1  }
0xa0: {  	[tilespmem:s5+$0x200] =	vst v3  }
0xa1: {  	s4 =	simm.s32 $0x0;
	s5 =	rddreg [dreg:$0x7]  }
0xa2: {  	[hbm4b:s5+s4] =	stream.linear.scatter [tilespmem:s22], [sflag:$0x3], $0x8000, $0x38;
	[tilespmem:$0x10200] =	vst v63  }
0xa3: {  	_ =	swait.ge [sflag:s18], $0x8000  }
0xa4: {  	[sflag:s18] =	ssyncset.done $0x0  }
0xa5: {  	s7 =	rddreg [dreg:$0x8];
	[sflag:s18] =	ssyncadd.s32 $0xFFFF8000  }
0xa6: {  	[tilespmem:s4], [sflag:$0x3] =	stream.linear.gather [hbm4b:s7+s4], $0x20, $0x38;
	[tilespmem:$0x10200] =	vst v63  }
0xa7: {  	_ =	swait.ge [sflag:s18], $0x20  }
0xa8: {  	[sflag:s18] =	ssyncset.done $0x0  }
0xa9: {  	s11 =	rddreg [dreg:$0x9];
	[sflag:s18] =	ssyncadd.s32 $0xFFFFFFE0  }
0xaa: {  	[tilespmem:s19], [sflag:$0x3] =	stream.linear.gather [hbm4b:s11+s4], $0x20, $0x38;
	[tilespmem:$0x10200] =	vst v63  }
0xab: {  	_ =	swait.ge [sflag:s18], $0x20  }
0xac: {  	[sflag:s18] =	ssyncset.done $0x0  }
0xad: {  	s6 =	simm.s32 $0x100;
	s12 =	rddreg [dreg:$0xa];
	[sflag:s18] =	ssyncadd.s32 $0xFFFFFFE0  }
0xae: {  	[tilespmem:s6], [sflag:$0x3] =	stream.linear.gather [hbm4b:s12+s4], $0x20, $0x38;
	[tilespmem:$0x10200] =	vst v63  }
0xaf: {  	_ =	swait.ge [sflag:s18], $0x20  }
0xb0: {  	[sflag:s18] =	ssyncset.done $0x0  }
0xb1: {  	s19 =	simm.s32 $0x180;
	s13 =	rddreg [dreg:$0xb];
	[sflag:s18] =	ssyncadd.s32 $0xFFFFFFE0  }
0xb2: {  	[tilespmem:s19], [sflag:$0x3] =	stream.linear.gather [hbm4b:s13+s4], $0x20, $0x38;
	[tilespmem:$0x10200] =	vst v63  }
0xb3: {  	_ =	swait.ge [sflag:s18], $0x20  }
0xb4: {  	[sflag:s18] =	ssyncset.done $0x0  }
0xb5: {  	[sflag:s18] =	ssyncadd.s32 $0xFFFFFFE0  }
0xb6: {  	v3 =	vld [tilespmem:$0x0];
	_ =	sdelay $0x4  }
0xb7: {  	v4 =	vshll.u32 v3, $0x3  }
0xb8: {  	v3 =	vand.u32 $0x7, v3;
	v4 =	vand.u32 $0xFFFFFFC0, v4  }
0xb9: {  	v3 =	vor.u32 v3, v4  }
0xba: {  	v4 =	vperm.xlane v3, v0;
	_ =	sdelay $0x1  }
0xbb: {  	v4 =	vadd.s32 v1, v4;
	_ =	sdelay $0x4  }
0xbc: {  	[tilespmem:s22], [sflag:$0x1] =	stream.indirect_vreg.gather [hbm4b:s3+s4], $0x80, v4, vm0, $0xb8;
	[tilespmem:$0x10200] =	vst v63  }
0xbd: {  	s6 =	simm.s32 $0xA00;
	v3 =	vperm.xlane v3, v2  }
0xbe: {  	[tilespmem:s6], [sflag:$0x1] =	stream.indirect_vreg.gather [hbm4b:s8+s4], $0x80, v4, vm0, $0xb8;
	[tilespmem:$0x10200] =	vst v63  }
0xbf: {  	s7 =	simm.s32 $0x1200;
	v3 =	vadd.s32 v1, v3  }
0xc0: {  	[tilespmem:s7], [sflag:$0x1] =	stream.indirect_vreg.gather [hbm4b:s9+s4], $0x80, v4, vm0, $0xb8;
	[tilespmem:$0x10200] =	vst v63  }
0xc1: {  	s11 =	simm.s32 $0x1A00  }
0xc2: {  	[tilespmem:s11], [sflag:$0x1] =	stream.indirect_vreg.gather [hbm4b:s10+s4], $0x80, v4, vm0, $0xb8;
	[tilespmem:$0x10200] =	vst v63  }
0xc3: {  	s12 =	simm.s32 $0x2200  }
0xc4: {  	[tilespmem:s12], [sflag:$0x1] =	stream.indirect_vreg.gather [hbm4b:s3+s4], $0x80, v3, vm0, $0xb8;
	[tilespmem:$0x10200] =	vst v63  }
0xc5: {  	s13 =	simm.s32 $0x2A00  }
0xc6: {  	[tilespmem:s13], [sflag:$0x1] =	stream.indirect_vreg.gather [hbm4b:s8+s4], $0x80, v3, vm0, $0xb8;
	[tilespmem:$0x10200] =	vst v63  }
0xc7: {  	s19 =	simm.s32 $0x3200  }
0xc8: {  	[tilespmem:s19], [sflag:$0x1] =	stream.indirect_vreg.gather [hbm4b:s9+s4], $0x80, v3, vm0, $0xb8;
	[tilespmem:$0x10200] =	vst v63  }
0xc9: {  	s6 =	simm.s32 $0x3A00  }
0xca: {  	[tilespmem:s6], [sflag:$0x1] =	stream.indirect_vreg.gather [hbm4b:s10+s4], $0x80, v3, vm0, $0xb8;
	[tilespmem:$0x10200] =	vst v63  }
0xcb: {  	v3 =	vld [tilespmem:$0x10];
	_ =	sdelay $0x4  }
0xcc: {  	v61 =	vshll.u32 v3, $0x3  }
0xcd: {  	v3 =	vand.u32 $0x7, v3;
	v4 =	vand.u32 $0xFFFFFFC0, v61  }
0xce: {  	v3 =	vor.u32 v3, v4  }
0xcf: {  	v4 =	vperm.xlane v3, v0;
	_ =	sdelay $0x1  }
0xd0: {  	v4 =	vadd.s32 v1, v4;
	_ =	sdelay $0x3  }
0xd1: {  	s7 =	simm.s32 $0x4200  }
0xd2: {  	[tilespmem:s7], [sflag:$0x1] =	stream.indirect_vreg.gather [hbm4b:s3+s4], $0x80, v4, vm0, $0xb8;
	[tilespmem:$0x10200] =	vst v63  }
0xd3: {  	s11 =	simm.s32 $0x4A00;
	v3 =	vperm.xlane v3, v2  }
0xd4: {  	[tilespmem:s11], [sflag:$0x1] =	stream.indirect_vreg.gather [hbm4b:s8+s4], $0x80, v4, vm0, $0xb8;
	[tilespmem:$0x10200] =	vst v63  }
0xd5: {  	s12 =	simm.s32 $0x5200;
	v3 =	vadd.s32 v1, v3  }
0xd6: {  	[tilespmem:s12], [sflag:$0x1] =	stream.indirect_vreg.gather [hbm4b:s9+s4], $0x80, v4, vm0, $0xb8;
	[tilespmem:$0x10200] =	vst v63  }
0xd7: {  	s13 =	simm.s32 $0x5A00  }
0xd8: {  	[tilespmem:s13], [sflag:$0x1] =	stream.indirect_vreg.gather [hbm4b:s10+s4], $0x80, v4, vm0, $0xb8;
	[tilespmem:$0x10200] =	vst v63  }
0xd9: {  	s19 =	simm.s32 $0x6200  }
0xda: {  	[tilespmem:s19], [sflag:$0x1] =	stream.indirect_vreg.gather [hbm4b:s3+s4], $0x80, v3, vm0, $0xb8;
	[tilespmem:$0x10200] =	vst v63  }
0xdb: {  	s6 =	simm.s32 $0x6A00  }
0xdc: {  	[tilespmem:s6], [sflag:$0x1] =	stream.indirect_vreg.gather [hbm4b:s8+s4], $0x80, v3, vm0, $0xb8;
	[tilespmem:$0x10200] =	vst v63  }
0xdd: {  	s7 =	simm.s32 $0x7200  }
0xde: {  	[tilespmem:s7], [sflag:$0x1] =	stream.indirect_vreg.gather [hbm4b:s9+s4], $0x80, v3, vm0, $0xb8;
	[tilespmem:$0x10200] =	vst v63  }
0xdf: {  	s11 =	simm.s32 $0x7A00  }
0xe0: {  	[tilespmem:s11], [sflag:$0x1] =	stream.indirect_vreg.gather [hbm4b:s10+s4], $0x80, v3, vm0, $0xb8;
	[tilespmem:$0x10200] =	vst v63  }
0xe1: {  	v3 =	vld [tilespmem:$0x80];
	_ =	sdelay $0x4  }
0xe2: {  	v62 =	vshll.u32 v3, $0x3  }
0xe3: {  	v3 =	vand.u32 $0x7, v3;
	v4 =	vand.u32 $0xFFFFFFC0, v62  }
0xe4: {  	v3 =	vor.u32 v3, v4  }
0xe5: {  	v4 =	vperm.xlane v3, v0;
	_ =	sdelay $0x1  }
0xe6: {  	v4 =	vadd.s32 v1, v4;
	_ =	sdelay $0x3  }
0xe7: {  	s12 =	simm.s32 $0x8200  }
0xe8: {  	[tilespmem:s12], [sflag:$0x2] =	stream.indirect_vreg.gather [hbm4b:s3+s4], $0x80, v4, vm0, $0xb8;
	[tilespmem:$0x10200] =	vst v63  }
0xe9: {  	s13 =	simm.s32 $0x8A00;
	v3 =	vperm.xlane v3, v2  }
0xea: {  	[tilespmem:s13], [sflag:$0x2] =	stream.indirect_vreg.gather [hbm4b:s8+s4], $0x80, v4, vm0, $0xb8;
	[tilespmem:$0x10200] =	vst v63  }
0xeb: {  	s19 =	simm.s32 $0x9200;
	v3 =	vadd.s32 v1, v3  }
0xec: {  	[tilespmem:s19], [sflag:$0x2] =	stream.indirect_vreg.gather [hbm4b:s9+s4], $0x80, v4, vm0, $0xb8;
	[tilespmem:$0x10200] =	vst v63  }
0xed: {  	_ = 	snop  }
0xee: {  	[tilespmem:s14], [sflag:$0x2] =	stream.indirect_vreg.gather [hbm4b:s10+s4], $0x80, v4, vm0, $0xb8;
	[tilespmem:$0x10200] =	vst v63  }
0xef: {  	_ = 	snop  }
0xf0: {  	[tilespmem:s20], [sflag:$0x2] =	stream.indirect_vreg.gather [hbm4b:s3+s4], $0x80, v3, vm0, $0xb8;
	[tilespmem:$0x10200] =	vst v63  }
0xf1: {  	_ = 	snop  }
0xf2: {  	[tilespmem:s21], [sflag:$0x2] =	stream.indirect_vreg.gather [hbm4b:s8+s4], $0x80, v3, vm0, $0xb8;
	[tilespmem:$0x10200] =	vst v63  }
0xf3: {  	_ = 	snop  }
0xf4: {  	[tilespmem:s15], [sflag:$0x2] =	stream.indirect_vreg.gather [hbm4b:s9+s4], $0x80, v3, vm0, $0xb8;
	[tilespmem:$0x10200] =	vst v63  }
0xf5: {  	_ = 	snop  }
0xf6: {  	[tilespmem:s16], [sflag:$0x2] =	stream.indirect_vreg.gather [hbm4b:s10+s4], $0x80, v3, vm0, $0xb8;
	[tilespmem:$0x10200] =	vst v63  }
0xf7: {  	v3 =	vld [tilespmem:$0x90];
	_ =	sdelay $0x4  }
0xf8: {  	v63 =	vshll.u32 v3, $0x3  }
0xf9: {  	v3 =	vand.u32 $0x7, v3;
	v4 =	vand.u32 $0xFFFFFFC0, v63  }
0xfa: {  	v3 =	vor.u32 v3, v4  }
0xfb: {  	v4 =	vperm.xlane v3, v0;
	_ =	sdelay $0x1  }
0xfc: {  	v4 =	vadd.s32 v1, v4;
	_ =	sdelay $0x4  }
0xfd: {  	[tilespmem:s17], [sflag:$0x2] =	stream.indirect_vreg.gather [hbm4b:s3+s4], $0x80, v4, vm0, $0xb8;
	[tilespmem:$0x10200] =	vst v63  }
0xfe: {  	v3 =	vperm.xlane v3, v2  }
0xff: {  	[tilespmem:s23], [sflag:$0x2] =	stream.indirect_vreg.gather [hbm4b:s8+s4], $0x80, v4, vm0, $0xb8;
	[tilespmem:$0x10200] =	vst v63  }
0x100: {  	v3 =	vadd.s32 v1, v3  }
0x101: {  	[tilespmem:s24], [sflag:$0x2] =	stream.indirect_vreg.gather [hbm4b:s9+s4], $0x80, v4, vm0, $0xb8;
	[tilespmem:$0x10200] =	vst v63  }
0x102: {  	_ = 	snop  }
0x103: {  	[tilespmem:s25], [sflag:$0x2] =	stream.indirect_vreg.gather [hbm4b:s10+s4], $0x80, v4, vm0, $0xb8;
	[tilespmem:$0x10200] =	vst v63  }
0x104: {  	_ = 	snop  }
0x105: {  	[tilespmem:s26], [sflag:$0x2] =	stream.indirect_vreg.gather [hbm4b:s3+s4], $0x80, v3, vm0, $0xb8;
	[tilespmem:$0x10200] =	vst v63  }
0x106: {  	_ = 	snop  }
0x107: {  	[tilespmem:s28], [sflag:$0x2] =	stream.indirect_vreg.gather [hbm4b:s8+s4], $0x80, v3, vm0, $0xb8;
	[tilespmem:$0x10200] =	vst v63  }
0x108: {  	_ = 	snop  }
0x109: {  	[tilespmem:s29], [sflag:$0x2] =	stream.indirect_vreg.gather [hbm4b:s9+s4], $0x80, v3, vm0, $0xb8;
	[tilespmem:$0x10200] =	vst v63  }
0x10a: {  	_ = 	snop  }
0x10b: {  	[tilespmem:s30], [sflag:$0x2] =	stream.indirect_vreg.gather [hbm4b:s10+s4], $0x80, v3, vm0, $0xb8;
	[tilespmem:$0x10200] =	vst v63  }
0x10c: {  	_ =	swait.ge [sflag:s31], $0x8000  }
0x10d: {  	[sflag:s31] =	ssyncset.done $0x0  }
0x10e: {  	[sflag:s31] =	ssyncadd.s32 $0xFFFF8000  }
0x10f: {  	_ =	swait.ge [sflag:s0], $0x8000  }
0x110: {  	[sflag:s0] =	ssyncset.done $0x0  }
0x111: {  	s5 =	simm.s32 $0x0;
	[sflag:s0] =	ssyncadd.s32 $0xFFFF8000  }
.LBB2_6:
0x112: {  	s6 =	sshll.u32 s5, $0xA;
	s7 =	sshll.u32 s5, $0x7  }
0x113: {  	s6 =	sand.u32 $0x6000, s6;
	s7 =	sand.u32 $0x380, s7  }
0x114: {  	s19 =	sand.u32 $0x1C00, s4;
	s6 =	sor.u32 s6, s7  }
0x115: {  	v3 =	vld.msk [tilespmem:s5+$0x100 ss:$0x0], $0xffff;
	s11 =	sand.u32 $0x70, s4;
	s7 =	sor.u32 s19, s6  }
0x116: {  	v4 =	vld.msk [tilespmem:s5+$0x180 ss:$0x0], $0xffff;
	s7 =	sor.u32 s11, s7  }
0x117: {  	v5 =	vld [tilespmem:s7+$0x8200]  }
0x118: {  	v6 =	vld [tilespmem:s7+$0x200];
	_ =	sdelay $0x4  }
0x119: {  	s11 =	simm.s32 $0x80;
	v6 =	vmul.f32 v6, v3;
	v5 =	vmul.f32 v5, v4  }
0x11a: {  	s12 =	simm.s32 $0x10;
	s19 =	sand.u32 $0x1C00, s11  }
0x11b: {  	s13 =	sand.u32 $0x70, s12;
	s12 =	simm.s32 $0x20;
	s19 =	sor.u32 s19, s6;
	v5 =	vadd.f32 v5, v6  }
.LBB2_7:
0x11c: {  	p0 =	sne.s32 s12, $0x3F0;
	s13 =	sor.u32 s13, s19  }
0x11d: {  	v6 =	vld [tilespmem:s13+$0x8200];
	[tilespmem:s7+$0x200] =	vst v5;
	s7 =	smov.u32 s13  }
0x11e: {  	v5 =	vld [tilespmem:s7+$0x200];
	_ =	sdelay $0x2  }
.Ltmp2:
0x11f: {  	(pc) =	sbr.rel @p0 .LBB2_7-.Ltmp2, $4  }
0x120: {  	_ = 	snop  }
0x121: {  	s11 =	sadd.s32 $0x80, s11;
	v6 =	vmul.f32 v6, v4;
	v5 =	vmul.f32 v5, v3  }
0x122: {  	s19 =	sand.u32 $0x1C00, s11  }
0x123: {  	s13 =	sand.u32 $0x70, s12;
	s12 =	sadd.s32 $0x10, s12;
	s19 =	sor.u32 s19, s6;
	v5 =	vadd.f32 v6, v5  }
0x124: {  	s6 =	sor.u32 s13, s19  }
0x125: {  	v6 =	vld [tilespmem:s6+$0x8200];
	[tilespmem:s7+$0x200] =	vst v5  }
0x126: {  	v5 =	vld [tilespmem:s6+$0x200];
	_ =	sdelay $0x2  }
0x127: {  	s5 =	sadd.s32 $0x1, s5  }
0x128: {  	p0 =	sne.s32 s5, $0x20  }
.Ltmp3:
0x129: {  	v4 =	vmul.f32 v6, v4;
	v3 =	vmul.f32 v5, v3;
	(pc) =	sbr.rel @p0 .LBB2_6-.Ltmp3, $3  }
0x12a: {  	_ = 	snop  }
0x12b: {  	v3 =	vadd.f32 v4, v3;
	_ =	sdelay $0x1  }
0x12c: {  	[tilespmem:s6+$0x200] =	vst v3  }
0x12d: {  	s4 =	rddreg [dreg:$0xc]  }
0x12e: {  	[hbm4b:s4+s1] =	stream.linear.scatter [tilespmem:s22], [sflag:$0x3], $0x8000, $0x38;
	[tilespmem:$0x10200] =	vst v63  }
0x12f: {  	_ =	swait.ge [sflag:s18], $0x8000  }
0x130: {  	s2 =	sadd.s32 $0x1, s2;
	s19 =	rddreg [dreg:$0xd]  }
0x131: {  	p0 =	sne.s32 s2, s19  }
.Ltmp4:
0x132: {  	_ = 	snop;
	(pc) =	sbr.rel @p0 .LBB2_1-.Ltmp4, $3  }
0x133: {  	_ =	sdelay $0x1  }
0x134: {  	[sflag:s18] =	ssyncset.done $0x0  }
0x135: {  	[sflag:s18] =	ssyncadd.s32 $0xFFFF8000;
	s19 =	simm.s32 $0x80  }
0x136: {  	_ =	sfence.sel $0x180000  }
0x137: {  	[bflag:$0x0] =	sbarrier.arrive $0xFFFF  }
0x138: {  	_ =	strace $0x9000004A  }
0x139: {  	s0 =	stileid.u32;
	[bflag:$0x2] =	sbarrier.arrive $0xFFFF  }
0x13a: {  	p0 =	sne.s32 s0, $0x0;
	s0 =	rddreg [dreg:$0x2]  }
0x13b: {  	s0 =	sadd.s32 @!p0 $0x100000, s0  }
0x13c: {  	[sflag:s0] =	ssyncadd.tile.s32 @!p0 $0x1;
	_ =	shalt  }
.Lfunc_end2:
_tile_overlayer_lowered:
.L_overlay_start_2:
0x13d: {  	(tag) =	ssettag $0x2  }
0x13e: {  	s0 =	rddreg [dreg:$0x0];
	s2 =	stileid.u32  }
0x13f: {  	s1 =	rddreg [dreg:$0x1];
	p0 =	sne.s32 s2, $0x0  }
0x140: {  	s3 =	rddreg [dreg:$0x2];
	[bflag:$0x3] =	sbarrier.arrive $0xFFFF;
	s2 =	simm.s32 @!p0 $0x1C03  }
0x141: {  	[timem:s3], [sflag:s2] =	dma.local @!p0 [hbm:s0], s1  }
0x142: {  	s0 =	simm.s32 @!p0 $0x3  }
0x143: {  	_ =	swait.ge @!p0 [sflag:s0], s1  }
0x144: {  	s1 =	ssub.s32 @!p0 $0x0, s1;
	[sflag:s0] =	ssyncset.done @!p0 $0x0  }
0x145: {  	[sflag:s0] =	ssyncadd.s32 @!p0 s1  }
0x146: {  	[bflag:$0x3] =	sbarrier.arrive $0xFFFF  }
0x147: {  	_ =	shalt  }

</sc_bundles>
